<compile_context>
chip_gen: v7x
topology: tpu7x:2x2x1
jax: 0.10.2.dev20260603
libtpu: 0.0.44.dev20260713+nightly
codegen_flags: <defaults>
</compile_context>

<pallas_src>
import functools

import jax
import jax.numpy as jnp
from jax import lax
from jax.experimental import pallas as pl
from jax.experimental.pallas import tpu as pltpu
from jax.experimental.pallas import tpu_sc as plsc

NC = 2
NS = 16
NW = NC * NS
NNODE = 10000
NE = 320000
DIN = 128
DH = 80
NCLS = 7
EPT = NE // NW
CH = 40
NCHUNK = EPT // CH
RPS = 624
RPS_LAST = NNODE - RPS * (NS - 1)
DEGW = 16

_DOT_KW = dict(preferred_element_type=jnp.float32,
               precision=lax.Precision.HIGHEST)


def _rows_copy(sid, fn):
    @pl.when(sid < NS - 1)
    def _():
        fn(sid * RPS, RPS)

    @pl.when(sid == NS - 1)
    def _():
        fn((NS - 1) * RPS, RPS_LAST)


def _mesh():
    return plsc.VectorSubcoreMesh(core_axis_name="c", subcore_axis_name="s",
                                  num_cores=NC, num_subcores=NS)


_SC_PARAMS = pltpu.CompilerParams(use_tc_tiling_on_sc=False)



def _sc_deg(dst3, ones_deg, zeros_deg):

    @functools.partial(
        pl.kernel,
        out_type=jax.ShapeDtypeStruct((NC, NNODE, DEGW), jnp.float32),
        mesh=_mesh(),
        scratch_types=[
            pltpu.VMEM((NCHUNK, CH), jnp.int32),
            pltpu.VMEM((CH, DEGW), jnp.float32),
            pltpu.VMEM_SHARED((NNODE, DEGW), jnp.float32),
        ],
        compiler_params=_SC_PARAMS,
    )
    def k(dst_hbm, ones_hbm, z_hbm, out_hbm, div, ones_v, acc):
        cid = lax.axis_index("c")
        sid = lax.axis_index("s")
        wid = sid * NC + cid
        pltpu.sync_copy(dst_hbm.at[wid], div)
        pltpu.sync_copy(ones_hbm, ones_v)
        _rows_copy(sid, lambda s, n: pltpu.sync_copy(
            z_hbm.at[pl.ds(s, n)], acc.at[pl.ds(s, n)]))
        plsc.subcore_barrier()

        @pl.loop(0, NCHUNK)
        def _(j):
            pltpu.sync_copy(ones_v, acc.at[div.at[j]], add=True)

        plsc.subcore_barrier()
        _rows_copy(sid, lambda s, n: pltpu.sync_copy(
            acc.at[pl.ds(s, n)], out_hbm.at[cid, pl.ds(s, n)]))

    return k(dst3, ones_deg, zeros_deg)


def _sc_scatter(hs, src3, dst3, zeros_f):

    @functools.partial(
        pl.kernel,
        out_type=jax.ShapeDtypeStruct((NC, NNODE, DH), jnp.float32),
        mesh=_mesh(),
        scratch_types=[
            pltpu.VMEM((NCHUNK, CH), jnp.int32),
            pltpu.VMEM((NCHUNK, CH), jnp.int32),
            pltpu.VMEM((CH, DH), jnp.float32),
            pltpu.VMEM((CH, DH), jnp.float32),
            pltpu.VMEM_SHARED((NNODE, DH), jnp.float32),
            pltpu.SemaphoreType.DMA,
            pltpu.SemaphoreType.DMA,
        ],
        compiler_params=_SC_PARAMS,
    )
    def k(hs_hbm, src_hbm, dst_hbm, z_hbm, out_hbm,
          siv, div, b0, b1, acc, sg0, sg1):
        cid = lax.axis_index("c")
        sid = lax.axis_index("s")
        wid = sid * NC + cid
        pltpu.sync_copy(src_hbm.at[wid], siv)
        pltpu.sync_copy(dst_hbm.at[wid], div)
        _rows_copy(sid, lambda s, n: pltpu.sync_copy(
            z_hbm.at[pl.ds(s, n)], acc.at[pl.ds(s, n)]))
        plsc.subcore_barrier()

        pltpu.async_copy(hs_hbm.at[siv.at[0]], b0, sg0)

        @pl.loop(0, NCHUNK, step=2)
        def _(j):
            pltpu.make_async_copy(hs_hbm.at[siv.at[j]], b0, sg0).wait()
            pltpu.async_copy(hs_hbm.at[siv.at[j + 1]], b1, sg1)
            pltpu.sync_copy(b0, acc.at[div.at[j]], add=True)
            pltpu.make_async_copy(hs_hbm.at[siv.at[j + 1]], b1, sg1).wait()

            @pl.when(j + 2 < NCHUNK)
            def _():
                pltpu.async_copy(hs_hbm.at[siv.at[j + 2]], b0, sg0)

            pltpu.sync_copy(b1, acc.at[div.at[j + 1]], add=True)

        plsc.subcore_barrier()
        _rows_copy(sid, lambda s, n: pltpu.sync_copy(
            acc.at[pl.ds(s, n)], out_hbm.at[cid, pl.ds(s, n)]))

    return k(hs, src3, dst3, zeros_f)



_BM = 1000


def _tc_matmul(x, w):
    m, kdim = x.shape
    n = w.shape[1]

    def body(x_ref, w_ref, o_ref):
        o_ref[...] = lax.dot_general(x_ref[...], w_ref[...],
                                     (((1,), (0,)), ((), ())), **_DOT_KW)

    return pl.pallas_call(
        body, grid=(m // _BM,),
        in_specs=[pl.BlockSpec((_BM, kdim), lambda i: (i, 0)),
                  pl.BlockSpec((kdim, n), lambda i: (0, 0))],
        out_specs=pl.BlockSpec((_BM, n), lambda i: (i, 0)),
        out_shape=jax.ShapeDtypeStruct((m, n), jnp.float32))(x, w)


def _tc_scale(deg_parts, h):

    def body(dp_ref, h_ref, hs_ref, dinv_ref):
        deg = dp_ref[0, :, 0:1] + dp_ref[1, :, 0:1] + 1.0
        dinv = lax.rsqrt(deg)
        hs_ref[...] = h_ref[...] * dinv
        dinv_ref[...] = dinv

    return pl.pallas_call(
        body, grid=(NNODE // _BM,),
        in_specs=[pl.BlockSpec((NC, _BM, DEGW), lambda i: (0, i, 0)),
                  pl.BlockSpec((_BM, DH), lambda i: (i, 0))],
        out_specs=[pl.BlockSpec((_BM, DH), lambda i: (i, 0)),
                   pl.BlockSpec((_BM, 1), lambda i: (i, 0))],
        out_shape=[jax.ShapeDtypeStruct((NNODE, DH), jnp.float32),
                   jax.ShapeDtypeStruct((NNODE, 1), jnp.float32)],
    )(deg_parts, h)


def _tc_layer(acc, hs, dinv, b, w):
    n = w.shape[1]

    def body(a_ref, hs_ref, dinv_ref, b_ref, w_ref, o_ref):
        s = (a_ref[0] + a_ref[1] + hs_ref[...]) * dinv_ref[...] + b_ref[...]
        z = jnp.maximum(s, 0.0)
        o_ref[...] = lax.dot_general(z, w_ref[...],
                                     (((1,), (0,)), ((), ())),
                                     **_DOT_KW) * dinv_ref[...]

    return pl.pallas_call(
        body, grid=(NNODE // _BM,),
        in_specs=[pl.BlockSpec((NC, _BM, DH), lambda i: (0, i, 0)),
                  pl.BlockSpec((_BM, DH), lambda i: (i, 0)),
                  pl.BlockSpec((_BM, 1), lambda i: (i, 0)),
                  pl.BlockSpec((1, DH), lambda i: (0, 0)),
                  pl.BlockSpec((DH, n), lambda i: (0, 0))],
        out_specs=pl.BlockSpec((_BM, n), lambda i: (i, 0)),
        out_shape=jax.ShapeDtypeStruct((NNODE, n), jnp.float32),
    )(acc, hs, dinv, b, w)


def _tc_head(acc, hs, dinv, b, wlin, blin):

    def body(a_ref, hs_ref, dinv_ref, b_ref, w_ref, bl_ref, o_ref):
        s = (a_ref[0] + a_ref[1] + hs_ref[...]) * dinv_ref[...] + b_ref[...]
        z = jnp.maximum(s, 0.0)
        logits = lax.dot_general(z, w_ref[...], (((1,), (0,)), ((), ())),
                                 **_DOT_KW) + bl_ref[...]
        m = jnp.max(logits, axis=1, keepdims=True)
        shifted = logits - m
        lse = jnp.log(jnp.sum(jnp.exp(shifted), axis=1, keepdims=True))
        o_ref[...] = shifted - lse

    return pl.pallas_call(
        body, grid=(NNODE // _BM,),
        in_specs=[pl.BlockSpec((NC, _BM, DH), lambda i: (0, i, 0)),
                  pl.BlockSpec((_BM, DH), lambda i: (i, 0)),
                  pl.BlockSpec((_BM, 1), lambda i: (i, 0)),
                  pl.BlockSpec((1, DH), lambda i: (0, 0)),
                  pl.BlockSpec((DH, NCLS), lambda i: (0, 0)),
                  pl.BlockSpec((1, NCLS), lambda i: (0, 0))],
        out_specs=pl.BlockSpec((_BM, NCLS), lambda i: (i, 0)),
        out_shape=jax.ShapeDtypeStruct((NNODE, NCLS), jnp.float32),
    )(acc, hs, dinv, b, wlin, blin)



def kernel(x, edge_index, W1, b1, W2, b2, Wlin, blin):
    src3 = edge_index[0].astype(jnp.int32).reshape(NW, NCHUNK, CH)
    dst3 = edge_index[1].astype(jnp.int32).reshape(NW, NCHUNK, CH)
    ones_deg = jnp.ones((CH, DEGW), jnp.float32)
    zeros_deg = jnp.zeros((NNODE, DEGW), jnp.float32)
    zeros_f = jnp.zeros((NNODE, DH), jnp.float32)

    deg_parts = _sc_deg(dst3, ones_deg, zeros_deg)
    h1 = _tc_matmul(x, W1)
    hs1, dinv = _tc_scale(deg_parts, h1)
    acc1 = _sc_scatter(hs1, src3, dst3, zeros_f)
    hs2 = _tc_layer(acc1, hs1, dinv, b1.reshape(1, DH), W2)
    acc2 = _sc_scatter(hs2, src3, dst3, zeros_f)
    return _tc_head(acc2, hs2, dinv, b2.reshape(1, DH),
                    Wlin, blin.reshape(1, NCLS))

# --- scband reference (transcript-rebuilt; emitter-appended) ---
"""Pipeline reference for scband-gcn-cora-30374008717765 (READ-ONLY COPY).

The authoritative reference and input builder live on the scoring server;
editing this copy changes nothing except your own understanding.
"""

import jax, jax.numpy as jnp
import numpy as np

N_NODES = 10000
N_EDGES = 320000
D_IN = 128
D_HID = 80
N_CLASSES = 7


def gcn_conv(x, edge_index, W, b):
    # GCNConv with added self-loops and symmetric normalization:
    # out = D^{-1/2} (A + I) D^{-1/2} (x W) + b
    n = x.shape[0]
    loop = jnp.arange(n, dtype=edge_index.dtype)
    src = jnp.concatenate([edge_index[0], loop])
    dst = jnp.concatenate([edge_index[1], loop])
    ones = jnp.ones(src.shape[0], dtype=x.dtype)
    deg = jnp.zeros(n, dtype=x.dtype).at[dst].add(ones)
    dinv = jnp.where(deg > 0, jax.lax.rsqrt(jnp.maximum(deg, 1e-12)), 0.0)
    norm = dinv[src] * dinv[dst]
    h = x @ W
    msg = h[src] * norm[:, None]
    out = jnp.zeros((n, h.shape[1]), dtype=x.dtype).at[dst].add(msg)
    return out + b


def setup_inputs(seed: int = 0) -> dict:
    key = jax.random.key(seed)
    k = jax.random.split(key, 8)
    x = jax.random.normal(k[0], (N_NODES, D_IN), dtype=jnp.float32)
    edge_index = jax.random.randint(k[1], (2, N_EDGES), 0, N_NODES, dtype=jnp.int64)
    s1 = 1.0 / np.sqrt(D_IN)
    s2 = 1.0 / np.sqrt(D_HID)
    W1 = jax.random.uniform(k[2], (D_IN, D_HID), jnp.float32, -s1, s1)
    b1 = jnp.zeros((D_HID,), jnp.float32)
    W2 = jax.random.uniform(k[3], (D_HID, D_HID), jnp.float32, -s2, s2)
    b2 = jnp.zeros((D_HID,), jnp.float32)
    Wlin = jax.random.uniform(k[4], (D_HID, N_CLASSES), jnp.float32, -s2, s2)
    blin = jax.random.uniform(k[5], (N_CLASSES,), jnp.float32, -s2, s2)
    return {"x": x, "edge_index": edge_index, "W1": W1, "b1": b1,
            "W2": W2, "b2": b2, "Wlin": Wlin, "blin": blin}


def reference(x, edge_index, W1, b1, W2, b2, Wlin, blin):
    # get_emb (dropout is identity in eval mode)
    h = jax.nn.relu(gcn_conv(x, edge_index, W1, b1))
    h = jax.nn.relu(gcn_conv(h, edge_index, W2, b2))
    # linear head + log_softmax
    logits = h @ Wlin + blin
    return jax.nn.log_softmax(logits, axis=1)

if __name__ == "__main__":
    import jax
    _d = setup_inputs()
    print(jax.jit(kernel)(*tuple(_d.values())))

</pallas_src>

<mosaic_0001>
#map = affine_map<(d0, d1) -> (0, 0)>
#map1 = affine_map<(d0, d1) -> (0, 0, 0)>
module attributes {stable_mosaic.version = 14 : i64} {
  func.func @k(%arg0: i32, %arg1: i32, %arg2: memref<10000x80xf32, #tpu.memory_space<hbm>>, %arg3: memref<32x250x40xi32, #tpu.memory_space<hbm>>, %arg4: memref<32x250x40xi32, #tpu.memory_space<hbm>>, %arg5: memref<10000x80xf32, #tpu.memory_space<hbm>>, %arg6: memref<2x10000x80xf32, #tpu.memory_space<hbm>>, %arg7: memref<250x40xi32, #tpu.memory_space<vmem>>, %arg8: memref<250x40xi32, #tpu.memory_space<vmem>>, %arg9: memref<40x80xf32, #tpu.memory_space<vmem>>, %arg10: memref<40x80xf32, #tpu.memory_space<vmem>>, %arg11: memref<10000x80xf32, #tpu.memory_space<vmem_shared>>, %arg12: memref<!tpu.dma_semaphore, #tpu.memory_space<semaphore_mem>>, %arg13: memref<!tpu.dma_semaphore, #tpu.memory_space<semaphore_mem>>) attributes {dimension_semantics = [#tpu.dimension_semantics<core_parallel>, #tpu.dimension_semantics<subcore_parallel>], iteration_bounds = array<i64: 2, 16>, scalar_prefetch = 0 : i64, scratch_operands = 7 : i64, tpu.core_type = #tpu.core_type<sc_vector_subcore>, window_params = [{transform_indices = #map}, {transform_indices = #map1}, {transform_indices = #map1}, {transform_indices = #map}, {transform_indices = #map1}]} {
    %mul3A = arith.constant 2 : i32
    %mul3A_0 = arith.muli %arg1, %mul3A : i32
    %add3A = arith.addi %mul3A_0, %arg0 : i32
    "tpu.region"() ({
      %run_scoped3A = tpu.sem_alloc : memref<!tpu.dma_semaphore, #tpu.memory_space<semaphore_mem>>
      %dma_start3A_28 = arith.constant 0 : i32
      %dma_start3A_29 = arith.constant 0 : i32
      %dma_start3A_30 = tpu.memref_slice %arg3[%add3A, %dma_start3A_28, %dma_start3A_29] : memref<32x250x40xi32, #tpu.memory_space<hbm>> -> memref<1x250x40xi32, #tpu.memory_space<hbm>>
      %dma_start3A_31 = tpu.memref_squeeze %dma_start3A_30 : memref<1x250x40xi32, #tpu.memory_space<hbm>> -> memref<250x40xi32, #tpu.memory_space<hbm>>
      %dma_start3A_32 = arith.constant 0 : i32
      %dma_start3A_33 = arith.constant 0 : i32
      %dma_start3A_34 = tpu.memref_slice %arg3[%add3A, %dma_start3A_32, %dma_start3A_33] : memref<32x250x40xi32, #tpu.memory_space<hbm>> -> memref<1x250x40xi32, #tpu.memory_space<hbm>>
      %dma_start3A_35 = tpu.memref_squeeze %dma_start3A_34 : memref<1x250x40xi32, #tpu.memory_space<hbm>> -> memref<250x40xi32, #tpu.memory_space<hbm>>
      tpu.enqueue_dma source(%dma_start3A_35 : memref<250x40xi32, #tpu.memory_space<hbm>>) target(%arg7 : memref<250x40xi32, #tpu.memory_space<vmem>>) target_semaphore(%run_scoped3A : memref<!tpu.dma_semaphore, #tpu.memory_space<semaphore_mem>>)
      %dma_wait3A = arith.constant 0 : i32
      %dma_wait3A_36 = arith.constant 0 : i32
      %dma_wait3A_37 = tpu.memref_slice %arg3[%add3A, %dma_wait3A, %dma_wait3A_36] : memref<32x250x40xi32, #tpu.memory_space<hbm>> -> memref<1x250x40xi32, #tpu.memory_space<hbm>>
      %dma_wait3A_38 = tpu.memref_squeeze %dma_wait3A_37 : memref<1x250x40xi32, #tpu.memory_space<hbm>> -> memref<250x40xi32, #tpu.memory_space<hbm>>
      %dma_wait3A_39 = arith.constant 0 : i32
      %dma_wait3A_40 = arith.constant 0 : i32
      %dma_wait3A_41 = tpu.memref_slice %arg3[%add3A, %dma_wait3A_39, %dma_wait3A_40] : memref<32x250x40xi32, #tpu.memory_space<hbm>> -> memref<1x250x40xi32, #tpu.memory_space<hbm>>
      %dma_wait3A_42 = tpu.memref_squeeze %dma_wait3A_41 : memref<1x250x40xi32, #tpu.memory_space<hbm>> -> memref<250x40xi32, #tpu.memory_space<hbm>>
      tpu.wait_dma2 semaphore(%run_scoped3A : memref<!tpu.dma_semaphore, #tpu.memory_space<semaphore_mem>>) src(%dma_wait3A_42 : memref<250x40xi32, #tpu.memory_space<hbm>>) dst(%arg7 : memref<250x40xi32, #tpu.memory_space<vmem>>)
      tpu.yield
    }) : () -> ()
    "tpu.region"() ({
      %run_scoped3A = tpu.sem_alloc : memref<!tpu.dma_semaphore, #tpu.memory_space<semaphore_mem>>
      %dma_start3A_28 = arith.constant 0 : i32
      %dma_start3A_29 = arith.constant 0 : i32
      %dma_start3A_30 = tpu.memref_slice %arg4[%add3A, %dma_start3A_28, %dma_start3A_29] : memref<32x250x40xi32, #tpu.memory_space<hbm>> -> memref<1x250x40xi32, #tpu.memory_space<hbm>>
      %dma_start3A_31 = tpu.memref_squeeze %dma_start3A_30 : memref<1x250x40xi32, #tpu.memory_space<hbm>> -> memref<250x40xi32, #tpu.memory_space<hbm>>
      %dma_start3A_32 = arith.constant 0 : i32
      %dma_start3A_33 = arith.constant 0 : i32
      %dma_start3A_34 = tpu.memref_slice %arg4[%add3A, %dma_start3A_32, %dma_start3A_33] : memref<32x250x40xi32, #tpu.memory_space<hbm>> -> memref<1x250x40xi32, #tpu.memory_space<hbm>>
      %dma_start3A_35 = tpu.memref_squeeze %dma_start3A_34 : memref<1x250x40xi32, #tpu.memory_space<hbm>> -> memref<250x40xi32, #tpu.memory_space<hbm>>
      tpu.enqueue_dma source(%dma_start3A_35 : memref<250x40xi32, #tpu.memory_space<hbm>>) target(%arg8 : memref<250x40xi32, #tpu.memory_space<vmem>>) target_semaphore(%run_scoped3A : memref<!tpu.dma_semaphore, #tpu.memory_space<semaphore_mem>>)
      %dma_wait3A = arith.constant 0 : i32
      %dma_wait3A_36 = arith.constant 0 : i32
      %dma_wait3A_37 = tpu.memref_slice %arg4[%add3A, %dma_wait3A, %dma_wait3A_36] : memref<32x250x40xi32, #tpu.memory_space<hbm>> -> memref<1x250x40xi32, #tpu.memory_space<hbm>>
      %dma_wait3A_38 = tpu.memref_squeeze %dma_wait3A_37 : memref<1x250x40xi32, #tpu.memory_space<hbm>> -> memref<250x40xi32, #tpu.memory_space<hbm>>
      %dma_wait3A_39 = arith.constant 0 : i32
      %dma_wait3A_40 = arith.constant 0 : i32
      %dma_wait3A_41 = tpu.memref_slice %arg4[%add3A, %dma_wait3A_39, %dma_wait3A_40] : memref<32x250x40xi32, #tpu.memory_space<hbm>> -> memref<1x250x40xi32, #tpu.memory_space<hbm>>
      %dma_wait3A_42 = tpu.memref_squeeze %dma_wait3A_41 : memref<1x250x40xi32, #tpu.memory_space<hbm>> -> memref<250x40xi32, #tpu.memory_space<hbm>>
      tpu.wait_dma2 semaphore(%run_scoped3A : memref<!tpu.dma_semaphore, #tpu.memory_space<semaphore_mem>>) src(%dma_wait3A_42 : memref<250x40xi32, #tpu.memory_space<hbm>>) dst(%arg8 : memref<250x40xi32, #tpu.memory_space<vmem>>)
      tpu.yield
    }) : () -> ()
    %lt3A = arith.constant 15 : i32
    %lt3A_1 = arith.cmpi slt, %arg1, %lt3A : i32
    %convert_element_type3A = arith.extui %lt3A_1 : i1 to i32
    %cond3A = arith.constant 0 : i32
    %cond3A_2 = arith.cmpi ne, %convert_element_type3A, %cond3A : i32
    scf.if %cond3A_2 {
      %mul3A_28 = arith.constant 624 : i32
      %mul3A_29 = arith.muli %arg1, %mul3A_28 : i32
      "tpu.region"() ({
        %run_scoped3A = tpu.sem_alloc : memref<!tpu.dma_semaphore, #tpu.memory_space<semaphore_mem>>
        %dma_start3A_30 = arith.constant 0 : i32
        %dma_start3A_31 = tpu.memref_slice %arg11[%mul3A_29, %dma_start3A_30] : memref<10000x80xf32, #tpu.memory_space<vmem_shared>> -> memref<624x80xf32, #tpu.memory_space<vmem_shared>>
        %dma_start3A_32 = arith.constant 0 : i32
        %dma_start3A_33 = tpu.memref_slice %arg5[%mul3A_29, %dma_start3A_32] : memref<10000x80xf32, #tpu.memory_space<hbm>> -> memref<624x80xf32, #tpu.memory_space<hbm>>
        tpu.enqueue_dma source(%dma_start3A_33 : memref<624x80xf32, #tpu.memory_space<hbm>>) target(%dma_start3A_31 : memref<624x80xf32, #tpu.memory_space<vmem_shared>>) target_semaphore(%run_scoped3A : memref<!tpu.dma_semaphore, #tpu.memory_space<semaphore_mem>>)
        %dma_wait3A = arith.constant 0 : i32
        %dma_wait3A_34 = tpu.memref_slice %arg11[%mul3A_29, %dma_wait3A] : memref<10000x80xf32, #tpu.memory_space<vmem_shared>> -> memref<624x80xf32, #tpu.memory_space<vmem_shared>>
        %dma_wait3A_35 = arith.constant 0 : i32
        %dma_wait3A_36 = tpu.memref_slice %arg5[%mul3A_29, %dma_wait3A_35] : memref<10000x80xf32, #tpu.memory_space<hbm>> -> memref<624x80xf32, #tpu.memory_space<hbm>>
        tpu.wait_dma2 semaphore(%run_scoped3A : memref<!tpu.dma_semaphore, #tpu.memory_space<semaphore_mem>>) src(%dma_wait3A_36 : memref<624x80xf32, #tpu.memory_space<hbm>>) dst(%dma_wait3A_34 : memref<624x80xf32, #tpu.memory_space<vmem_shared>>)
        tpu.yield
      }) : () -> ()
    } else {
    }
    %eq3A = arith.constant 15 : i32
    %eq3A_3 = arith.cmpi eq, %arg1, %eq3A : i32
    %convert_element_type3A_4 = arith.extui %eq3A_3 : i1 to i32
    %cond3A_5 = arith.constant 0 : i32
    %cond3A_6 = arith.cmpi ne, %convert_element_type3A_4, %cond3A_5 : i32
    scf.if %cond3A_6 {
      "tpu.region"() ({
        %run_scoped3A = tpu.sem_alloc : memref<!tpu.dma_semaphore, #tpu.memory_space<semaphore_mem>>
        %dma_start3A_28 = arith.constant 9360 : i32
        %dma_start3A_29 = arith.constant 0 : i32
        %dma_start3A_30 = tpu.memref_slice %arg11[%dma_start3A_28, %dma_start3A_29] : memref<10000x80xf32, #tpu.memory_space<vmem_shared>> -> memref<640x80xf32, #tpu.memory_space<vmem_shared>>
        %dma_start3A_31 = arith.constant 9360 : i32
        %dma_start3A_32 = arith.constant 0 : i32
        %dma_start3A_33 = tpu.memref_slice %arg5[%dma_start3A_31, %dma_start3A_32] : memref<10000x80xf32, #tpu.memory_space<hbm>> -> memref<640x80xf32, #tpu.memory_space<hbm>>
        tpu.enqueue_dma source(%dma_start3A_33 : memref<640x80xf32, #tpu.memory_space<hbm>>) target(%dma_start3A_30 : memref<640x80xf32, #tpu.memory_space<vmem_shared>>) target_semaphore(%run_scoped3A : memref<!tpu.dma_semaphore, #tpu.memory_space<semaphore_mem>>)
        %dma_wait3A = arith.constant 9360 : i32
        %dma_wait3A_34 = arith.constant 0 : i32
        %dma_wait3A_35 = tpu.memref_slice %arg11[%dma_wait3A, %dma_wait3A_34] : memref<10000x80xf32, #tpu.memory_space<vmem_shared>> -> memref<640x80xf32, #tpu.memory_space<vmem_shared>>
        %dma_wait3A_36 = arith.constant 9360 : i32
        %dma_wait3A_37 = arith.constant 0 : i32
        %dma_wait3A_38 = tpu.memref_slice %arg5[%dma_wait3A_36, %dma_wait3A_37] : memref<10000x80xf32, #tpu.memory_space<hbm>> -> memref<640x80xf32, #tpu.memory_space<hbm>>
        tpu.wait_dma2 semaphore(%run_scoped3A : memref<!tpu.dma_semaphore, #tpu.memory_space<semaphore_mem>>) src(%dma_wait3A_38 : memref<640x80xf32, #tpu.memory_space<hbm>>) dst(%dma_wait3A_35 : memref<640x80xf32, #tpu.memory_space<vmem_shared>>)
        tpu.yield
      }) : () -> ()
    } else {
    }
    %barrier3A = arith.constant 0 : index
    tpu.barrier barrier_id(%barrier3A)
    %dma_start3A = arith.constant 0 : i32
    %dma_start3A_7 = arith.constant 0 : i32
    %dma_start3A_8 = tpu.memref_slice %arg7[%dma_start3A, %dma_start3A_7] : memref<250x40xi32, #tpu.memory_space<vmem>> -> memref<1x40xi32, #tpu.memory_space<vmem>>
    %dma_start3A_9 = tpu.memref_squeeze %dma_start3A_8 : memref<1x40xi32, #tpu.memory_space<vmem>> -> memref<40xi32, #tpu.memory_space<vmem>>
    %dma_start3A_10 = arith.constant 0 : i32
    %dma_start3A_11 = arith.constant 0 : i32
    %dma_start3A_12 = tpu.memref_slice %arg2[%dma_start3A_10, %dma_start3A_11] : memref<10000x80xf32, #tpu.memory_space<hbm>> -> memref<10000x80xf32, #tpu.memory_space<hbm>>
    tpu.enqueue_indirect_dma source(%dma_start3A_12 : memref<10000x80xf32, #tpu.memory_space<hbm>>) target(%arg9 : memref<40x80xf32, #tpu.memory_space<vmem>>) offsets(%dma_start3A_9 : memref<40xi32, #tpu.memory_space<vmem>>) semaphore(%arg12 : memref<!tpu.dma_semaphore, #tpu.memory_space<semaphore_mem>>)
    %scan3A = arith.constant 0 : i32
    %scan3A_13 = arith.constant 125 : i32
    %scan3A_14 = arith.addi %scan3A, %scan3A_13 : i32
    %scan3A_15 = arith.constant 1 : i32
    scf.for %scan3A_28 = %scan3A to %scan3A_14 step %scan3A_15  : i32 {
      %mul3A_29 = arith.constant 2 : i32
      %mul3A_30 = arith.muli %scan3A_28, %mul3A_29 : i32
      %add3A_31 = arith.constant 0 : i32
      %add3A_32 = arith.addi %add3A_31, %mul3A_30 : i32
      %dma_wait3A = arith.constant 0 : i32
      %dma_wait3A_33 = tpu.memref_slice %arg7[%add3A_32, %dma_wait3A] : memref<250x40xi32, #tpu.memory_space<vmem>> -> memref<1x40xi32, #tpu.memory_space<vmem>>
      %dma_wait3A_34 = tpu.memref_squeeze %dma_wait3A_33 : memref<1x40xi32, #tpu.memory_space<vmem>> -> memref<40xi32, #tpu.memory_space<vmem>>
      %dma_wait3A_35 = arith.constant 0 : i32
      %dma_wait3A_36 = arith.constant 0 : i32
      %dma_wait3A_37 = tpu.memref_slice %arg2[%dma_wait3A_35, %dma_wait3A_36] : memref<10000x80xf32, #tpu.memory_space<hbm>> -> memref<10000x80xf32, #tpu.memory_space<hbm>>
      tpu.wait_indirect_dma semaphore(%arg12 : memref<!tpu.dma_semaphore, #tpu.memory_space<semaphore_mem>>) src(%dma_wait3A_37 : memref<10000x80xf32, #tpu.memory_space<hbm>>) dst(%arg9 : memref<40x80xf32, #tpu.memory_space<vmem>>)
      %add3A_38 = arith.constant 1 : i32
      %add3A_39 = arith.addi %add3A_32, %add3A_38 : i32
      %dma_start3A_40 = arith.constant 0 : i32
      %dma_start3A_41 = tpu.memref_slice %arg7[%add3A_39, %dma_start3A_40] : memref<250x40xi32, #tpu.memory_space<vmem>> -> memref<1x40xi32, #tpu.memory_space<vmem>>
      %dma_start3A_42 = tpu.memref_squeeze %dma_start3A_41 : memref<1x40xi32, #tpu.memory_space<vmem>> -> memref<40xi32, #tpu.memory_space<vmem>>
      %dma_start3A_43 = arith.constant 0 : i32
      %dma_start3A_44 = arith.constant 0 : i32
      %dma_start3A_45 = tpu.memref_slice %arg2[%dma_start3A_43, %dma_start3A_44] : memref<10000x80xf32, #tpu.memory_space<hbm>> -> memref<10000x80xf32, #tpu.memory_space<hbm>>
      tpu.enqueue_indirect_dma source(%dma_start3A_45 : memref<10000x80xf32, #tpu.memory_space<hbm>>) target(%arg10 : memref<40x80xf32, #tpu.memory_space<vmem>>) offsets(%dma_start3A_42 : memref<40xi32, #tpu.memory_space<vmem>>) semaphore(%arg13 : memref<!tpu.dma_semaphore, #tpu.memory_space<semaphore_mem>>)
      "tpu.region"() ({
        %run_scoped3A = tpu.sem_alloc : memref<!tpu.dma_semaphore, #tpu.memory_space<semaphore_mem>>
        %dma_start3A_63 = arith.constant 0 : i32
        %dma_start3A_64 = tpu.memref_slice %arg8[%add3A_32, %dma_start3A_63] : memref<250x40xi32, #tpu.memory_space<vmem>> -> memref<1x40xi32, #tpu.memory_space<vmem>>
        %dma_start3A_65 = tpu.memref_squeeze %dma_start3A_64 : memref<1x40xi32, #tpu.memory_space<vmem>> -> memref<40xi32, #tpu.memory_space<vmem>>
        %dma_start3A_66 = arith.constant 0 : i32
        %dma_start3A_67 = arith.constant 0 : i32
        %dma_start3A_68 = tpu.memref_slice %arg11[%dma_start3A_66, %dma_start3A_67] : memref<10000x80xf32, #tpu.memory_space<vmem_shared>> -> memref<10000x80xf32, #tpu.memory_space<vmem_shared>>
        tpu.enqueue_indirect_dma source(%arg9 : memref<40x80xf32, #tpu.memory_space<vmem>>) target(%dma_start3A_68 : memref<10000x80xf32, #tpu.memory_space<vmem_shared>>) offsets(%dma_start3A_65 : memref<40xi32, #tpu.memory_space<vmem>>) semaphore(%run_scoped3A : memref<!tpu.dma_semaphore, #tpu.memory_space<semaphore_mem>>) {add = true}
        %dma_wait3A_69 = arith.constant 0 : i32
        %dma_wait3A_70 = tpu.memref_slice %arg8[%add3A_32, %dma_wait3A_69] : memref<250x40xi32, #tpu.memory_space<vmem>> -> memref<1x40xi32, #tpu.memory_space<vmem>>
        %dma_wait3A_71 = tpu.memref_squeeze %dma_wait3A_70 : memref<1x40xi32, #tpu.memory_space<vmem>> -> memref<40xi32, #tpu.memory_space<vmem>>
        %dma_wait3A_72 = arith.constant 0 : i32
        %dma_wait3A_73 = arith.constant 0 : i32
        %dma_wait3A_74 = tpu.memref_slice %arg11[%dma_wait3A_72, %dma_wait3A_73] : memref<10000x80xf32, #tpu.memory_space<vmem_shared>> -> memref<10000x80xf32, #tpu.memory_space<vmem_shared>>
        tpu.wait_indirect_dma semaphore(%run_scoped3A : memref<!tpu.dma_semaphore, #tpu.memory_space<semaphore_mem>>) src(%arg9 : memref<40x80xf32, #tpu.memory_space<vmem>>) dst(%dma_wait3A_74 : memref<10000x80xf32, #tpu.memory_space<vmem_shared>>)
        tpu.yield
      }) : () -> ()
      %add3A_46 = arith.constant 1 : i32
      %add3A_47 = arith.addi %add3A_32, %add3A_46 : i32
      %dma_wait3A_48 = arith.constant 0 : i32
      %dma_wait3A_49 = tpu.memref_slice %arg7[%add3A_47, %dma_wait3A_48] : memref<250x40xi32, #tpu.memory_space<vmem>> -> memref<1x40xi32, #tpu.memory_space<vmem>>
      %dma_wait3A_50 = tpu.memref_squeeze %dma_wait3A_49 : memref<1x40xi32, #tpu.memory_space<vmem>> -> memref<40xi32, #tpu.memory_space<vmem>>
      %dma_wait3A_51 = arith.constant 0 : i32
      %dma_wait3A_52 = arith.constant 0 : i32
      %dma_wait3A_53 = tpu.memref_slice %arg2[%dma_wait3A_51, %dma_wait3A_52] : memref<10000x80xf32, #tpu.memory_space<hbm>> -> memref<10000x80xf32, #tpu.memory_space<hbm>>
      tpu.wait_indirect_dma semaphore(%arg13 : memref<!tpu.dma_semaphore, #tpu.memory_space<semaphore_mem>>) src(%dma_wait3A_53 : memref<10000x80xf32, #tpu.memory_space<hbm>>) dst(%arg10 : memref<40x80xf32, #tpu.memory_space<vmem>>)
      %add3A_54 = arith.constant 2 : i32
      %add3A_55 = arith.addi %add3A_32, %add3A_54 : i32
      %lt3A_56 = arith.constant 250 : i32
      %lt3A_57 = arith.cmpi slt, %add3A_55, %lt3A_56 : i32
      %convert_element_type3A_58 = arith.extui %lt3A_57 : i1 to i32
      %cond3A_59 = arith.constant 0 : i32
      %cond3A_60 = arith.cmpi ne, %convert_element_type3A_58, %cond3A_59 : i32
      scf.if %cond3A_60 {
        %add3A_63 = arith.constant 2 : i32
        %add3A_64 = arith.addi %add3A_32, %add3A_63 : i32
        %dma_start3A_65 = arith.constant 0 : i32
        %dma_start3A_66 = tpu.memref_slice %arg7[%add3A_64, %dma_start3A_65] : memref<250x40xi32, #tpu.memory_space<vmem>> -> memref<1x40xi32, #tpu.memory_space<vmem>>
        %dma_start3A_67 = tpu.memref_squeeze %dma_start3A_66 : memref<1x40xi32, #tpu.memory_space<vmem>> -> memref<40xi32, #tpu.memory_space<vmem>>
        %dma_start3A_68 = arith.constant 0 : i32
        %dma_start3A_69 = arith.constant 0 : i32
        %dma_start3A_70 = tpu.memref_slice %arg2[%dma_start3A_68, %dma_start3A_69] : memref<10000x80xf32, #tpu.memory_space<hbm>> -> memref<10000x80xf32, #tpu.memory_space<hbm>>
        tpu.enqueue_indirect_dma source(%dma_start3A_70 : memref<10000x80xf32, #tpu.memory_space<hbm>>) target(%arg9 : memref<40x80xf32, #tpu.memory_space<vmem>>) offsets(%dma_start3A_67 : memref<40xi32, #tpu.memory_space<vmem>>) semaphore(%arg12 : memref<!tpu.dma_semaphore, #tpu.memory_space<semaphore_mem>>)
      } else {
      }
      %add3A_61 = arith.constant 1 : i32
      %add3A_62 = arith.addi %add3A_32, %add3A_61 : i32
      "tpu.region"() ({
        %run_scoped3A = tpu.sem_alloc : memref<!tpu.dma_semaphore, #tpu.memory_space<semaphore_mem>>
        %dma_start3A_63 = arith.constant 0 : i32
        %dma_start3A_64 = tpu.memref_slice %arg8[%add3A_62, %dma_start3A_63] : memref<250x40xi32, #tpu.memory_space<vmem>> -> memref<1x40xi32, #tpu.memory_space<vmem>>
        %dma_start3A_65 = tpu.memref_squeeze %dma_start3A_64 : memref<1x40xi32, #tpu.memory_space<vmem>> -> memref<40xi32, #tpu.memory_space<vmem>>
        %dma_start3A_66 = arith.constant 0 : i32
        %dma_start3A_67 = arith.constant 0 : i32
        %dma_start3A_68 = tpu.memref_slice %arg11[%dma_start3A_66, %dma_start3A_67] : memref<10000x80xf32, #tpu.memory_space<vmem_shared>> -> memref<10000x80xf32, #tpu.memory_space<vmem_shared>>
        tpu.enqueue_indirect_dma source(%arg10 : memref<40x80xf32, #tpu.memory_space<vmem>>) target(%dma_start3A_68 : memref<10000x80xf32, #tpu.memory_space<vmem_shared>>) offsets(%dma_start3A_65 : memref<40xi32, #tpu.memory_space<vmem>>) semaphore(%run_scoped3A : memref<!tpu.dma_semaphore, #tpu.memory_space<semaphore_mem>>) {add = true}
        %dma_wait3A_69 = arith.constant 0 : i32
        %dma_wait3A_70 = tpu.memref_slice %arg8[%add3A_62, %dma_wait3A_69] : memref<250x40xi32, #tpu.memory_space<vmem>> -> memref<1x40xi32, #tpu.memory_space<vmem>>
        %dma_wait3A_71 = tpu.memref_squeeze %dma_wait3A_70 : memref<1x40xi32, #tpu.memory_space<vmem>> -> memref<40xi32, #tpu.memory_space<vmem>>
        %dma_wait3A_72 = arith.constant 0 : i32
        %dma_wait3A_73 = arith.constant 0 : i32
        %dma_wait3A_74 = tpu.memref_slice %arg11[%dma_wait3A_72, %dma_wait3A_73] : memref<10000x80xf32, #tpu.memory_space<vmem_shared>> -> memref<10000x80xf32, #tpu.memory_space<vmem_shared>>
        tpu.wait_indirect_dma semaphore(%run_scoped3A : memref<!tpu.dma_semaphore, #tpu.memory_space<semaphore_mem>>) src(%arg10 : memref<40x80xf32, #tpu.memory_space<vmem>>) dst(%dma_wait3A_74 : memref<10000x80xf32, #tpu.memory_space<vmem_shared>>)
        tpu.yield
      }) : () -> ()
    }
    %scan3A_16 = arith.constant 125 : i32
    %barrier3A_17 = arith.constant 0 : index
    tpu.barrier barrier_id(%barrier3A_17)
    %lt3A_18 = arith.constant 15 : i32
    %lt3A_19 = arith.cmpi slt, %arg1, %lt3A_18 : i32
    %convert_element_type3A_20 = arith.extui %lt3A_19 : i1 to i32
    %cond3A_21 = arith.constant 0 : i32
    %cond3A_22 = arith.cmpi ne, %convert_element_type3A_20, %cond3A_21 : i32
    scf.if %cond3A_22 {
      %mul3A_28 = arith.constant 624 : i32
      %mul3A_29 = arith.muli %arg1, %mul3A_28 : i32
      "tpu.region"() ({
        %run_scoped3A = tpu.sem_alloc : memref<!tpu.dma_semaphore, #tpu.memory_space<semaphore_mem>>
        %dma_start3A_30 = arith.constant 0 : i32
        %dma_start3A_31 = tpu.memref_slice %arg6[%arg0, %mul3A_29, %dma_start3A_30] : memref<2x10000x80xf32, #tpu.memory_space<hbm>> -> memref<1x624x80xf32, #tpu.memory_space<hbm>>
        %dma_start3A_32 = tpu.memref_squeeze %dma_start3A_31 : memref<1x624x80xf32, #tpu.memory_space<hbm>> -> memref<624x80xf32, #tpu.memory_space<hbm>>
        %dma_start3A_33 = arith.constant 0 : i32
        %dma_start3A_34 = tpu.memref_slice %arg11[%mul3A_29, %dma_start3A_33] : memref<10000x80xf32, #tpu.memory_space<vmem_shared>> -> memref<624x80xf32, #tpu.memory_space<vmem_shared>>
        tpu.enqueue_dma source(%dma_start3A_34 : memref<624x80xf32, #tpu.memory_space<vmem_shared>>) target(%dma_start3A_32 : memref<624x80xf32, #tpu.memory_space<hbm>>) target_semaphore(%run_scoped3A : memref<!tpu.dma_semaphore, #tpu.memory_space<semaphore_mem>>)
        %dma_wait3A = arith.constant 0 : i32
        %dma_wait3A_35 = tpu.memref_slice %arg6[%arg0, %mul3A_29, %dma_wait3A] : memref<2x10000x80xf32, #tpu.memory_space<hbm>> -> memref<1x624x80xf32, #tpu.memory_space<hbm>>
        %dma_wait3A_36 = tpu.memref_squeeze %dma_wait3A_35 : memref<1x624x80xf32, #tpu.memory_space<hbm>> -> memref<624x80xf32, #tpu.memory_space<hbm>>
        %dma_wait3A_37 = arith.constant 0 : i32
        %dma_wait3A_38 = tpu.memref_slice %arg11[%mul3A_29, %dma_wait3A_37] : memref<10000x80xf32, #tpu.memory_space<vmem_shared>> -> memref<624x80xf32, #tpu.memory_space<vmem_shared>>
        tpu.wait_dma2 semaphore(%run_scoped3A : memref<!tpu.dma_semaphore, #tpu.memory_space<semaphore_mem>>) src(%dma_wait3A_38 : memref<624x80xf32, #tpu.memory_space<vmem_shared>>) dst(%dma_wait3A_36 : memref<624x80xf32, #tpu.memory_space<hbm>>)
        tpu.yield
      }) : () -> ()
    } else {
    }
    %eq3A_23 = arith.constant 15 : i32
    %eq3A_24 = arith.cmpi eq, %arg1, %eq3A_23 : i32
    %convert_element_type3A_25 = arith.extui %eq3A_24 : i1 to i32
    %cond3A_26 = arith.constant 0 : i32
    %cond3A_27 = arith.cmpi ne, %convert_element_type3A_25, %cond3A_26 : i32
    scf.if %cond3A_27 {
      "tpu.region"() ({
        %run_scoped3A = tpu.sem_alloc : memref<!tpu.dma_semaphore, #tpu.memory_space<semaphore_mem>>
        %dma_start3A_28 = arith.constant 9360 : i32
        %dma_start3A_29 = arith.constant 0 : i32
        %dma_start3A_30 = tpu.memref_slice %arg6[%arg0, %dma_start3A_28, %dma_start3A_29] : memref<2x10000x80xf32, #tpu.memory_space<hbm>> -> memref<1x640x80xf32, #tpu.memory_space<hbm>>
        %dma_start3A_31 = tpu.memref_squeeze %dma_start3A_30 : memref<1x640x80xf32, #tpu.memory_space<hbm>> -> memref<640x80xf32, #tpu.memory_space<hbm>>
        %dma_start3A_32 = arith.constant 9360 : i32
        %dma_start3A_33 = arith.constant 0 : i32
        %dma_start3A_34 = tpu.memref_slice %arg11[%dma_start3A_32, %dma_start3A_33] : memref<10000x80xf32, #tpu.memory_space<vmem_shared>> -> memref<640x80xf32, #tpu.memory_space<vmem_shared>>
        tpu.enqueue_dma source(%dma_start3A_34 : memref<640x80xf32, #tpu.memory_space<vmem_shared>>) target(%dma_start3A_31 : memref<640x80xf32, #tpu.memory_space<hbm>>) target_semaphore(%run_scoped3A : memref<!tpu.dma_semaphore, #tpu.memory_space<semaphore_mem>>)
        %dma_wait3A = arith.constant 9360 : i32
        %dma_wait3A_35 = arith.constant 0 : i32
        %dma_wait3A_36 = tpu.memref_slice %arg6[%arg0, %dma_wait3A, %dma_wait3A_35] : memref<2x10000x80xf32, #tpu.memory_space<hbm>> -> memref<1x640x80xf32, #tpu.memory_space<hbm>>
        %dma_wait3A_37 = tpu.memref_squeeze %dma_wait3A_36 : memref<1x640x80xf32, #tpu.memory_space<hbm>> -> memref<640x80xf32, #tpu.memory_space<hbm>>
        %dma_wait3A_38 = arith.constant 9360 : i32
        %dma_wait3A_39 = arith.constant 0 : i32
        %dma_wait3A_40 = tpu.memref_slice %arg11[%dma_wait3A_38, %dma_wait3A_39] : memref<10000x80xf32, #tpu.memory_space<vmem_shared>> -> memref<640x80xf32, #tpu.memory_space<vmem_shared>>
        tpu.wait_dma2 semaphore(%run_scoped3A : memref<!tpu.dma_semaphore, #tpu.memory_space<semaphore_mem>>) src(%dma_wait3A_40 : memref<640x80xf32, #tpu.memory_space<vmem_shared>>) dst(%dma_wait3A_37 : memref<640x80xf32, #tpu.memory_space<hbm>>)
        tpu.yield
      }) : () -> ()
    } else {
    }
    return
  }
}

#map = affine_map<(d0, d1) -> (0, 0, 0)>
#map1 = affine_map<(d0, d1) -> (0, 0)>
module attributes {stable_mosaic.version = 14 : i64} {
  func.func @k(%arg0: i32, %arg1: i32, %arg2: memref<32x250x40xi32, #tpu.memory_space<hbm>>, %arg3: memref<40x16xf32, #tpu.memory_space<hbm>>, %arg4: memref<10000x16xf32, #tpu.memory_space<hbm>>, %arg5: memref<2x10000x16xf32, #tpu.memory_space<hbm>>, %arg6: memref<250x40xi32, #tpu.memory_space<vmem>>, %arg7: memref<40x16xf32, #tpu.memory_space<vmem>>, %arg8: memref<10000x16xf32, #tpu.memory_space<vmem_shared>>) attributes {dimension_semantics = [#tpu.dimension_semantics<core_parallel>, #tpu.dimension_semantics<subcore_parallel>], iteration_bounds = array<i64: 2, 16>, scalar_prefetch = 0 : i64, scratch_operands = 3 : i64, tpu.core_type = #tpu.core_type<sc_vector_subcore>, window_params = [{transform_indices = #map}, {transform_indices = #map1}, {transform_indices = #map1}, {transform_indices = #map}]} {
    %mul3A = arith.constant 2 : i32
    %mul3A_0 = arith.muli %arg1, %mul3A : i32
    %add3A = arith.addi %mul3A_0, %arg0 : i32
    "tpu.region"() ({
      %run_scoped3A = tpu.sem_alloc : memref<!tpu.dma_semaphore, #tpu.memory_space<semaphore_mem>>
      %dma_start3A = arith.constant 0 : i32
      %dma_start3A_22 = arith.constant 0 : i32
      %dma_start3A_23 = tpu.memref_slice %arg2[%add3A, %dma_start3A, %dma_start3A_22] : memref<32x250x40xi32, #tpu.memory_space<hbm>> -> memref<1x250x40xi32, #tpu.memory_space<hbm>>
      %dma_start3A_24 = tpu.memref_squeeze %dma_start3A_23 : memref<1x250x40xi32, #tpu.memory_space<hbm>> -> memref<250x40xi32, #tpu.memory_space<hbm>>
      %dma_start3A_25 = arith.constant 0 : i32
      %dma_start3A_26 = arith.constant 0 : i32
      %dma_start3A_27 = tpu.memref_slice %arg2[%add3A, %dma_start3A_25, %dma_start3A_26] : memref<32x250x40xi32, #tpu.memory_space<hbm>> -> memref<1x250x40xi32, #tpu.memory_space<hbm>>
      %dma_start3A_28 = tpu.memref_squeeze %dma_start3A_27 : memref<1x250x40xi32, #tpu.memory_space<hbm>> -> memref<250x40xi32, #tpu.memory_space<hbm>>
      tpu.enqueue_dma source(%dma_start3A_28 : memref<250x40xi32, #tpu.memory_space<hbm>>) target(%arg6 : memref<250x40xi32, #tpu.memory_space<vmem>>) target_semaphore(%run_scoped3A : memref<!tpu.dma_semaphore, #tpu.memory_space<semaphore_mem>>)
      %dma_wait3A = arith.constant 0 : i32
      %dma_wait3A_29 = arith.constant 0 : i32
      %dma_wait3A_30 = tpu.memref_slice %arg2[%add3A, %dma_wait3A, %dma_wait3A_29] : memref<32x250x40xi32, #tpu.memory_space<hbm>> -> memref<1x250x40xi32, #tpu.memory_space<hbm>>
      %dma_wait3A_31 = tpu.memref_squeeze %dma_wait3A_30 : memref<1x250x40xi32, #tpu.memory_space<hbm>> -> memref<250x40xi32, #tpu.memory_space<hbm>>
      %dma_wait3A_32 = arith.constant 0 : i32
      %dma_wait3A_33 = arith.constant 0 : i32
      %dma_wait3A_34 = tpu.memref_slice %arg2[%add3A, %dma_wait3A_32, %dma_wait3A_33] : memref<32x250x40xi32, #tpu.memory_space<hbm>> -> memref<1x250x40xi32, #tpu.memory_space<hbm>>
      %dma_wait3A_35 = tpu.memref_squeeze %dma_wait3A_34 : memref<1x250x40xi32, #tpu.memory_space<hbm>> -> memref<250x40xi32, #tpu.memory_space<hbm>>
      tpu.wait_dma2 semaphore(%run_scoped3A : memref<!tpu.dma_semaphore, #tpu.memory_space<semaphore_mem>>) src(%dma_wait3A_35 : memref<250x40xi32, #tpu.memory_space<hbm>>) dst(%arg6 : memref<250x40xi32, #tpu.memory_space<vmem>>)
      tpu.yield
    }) : () -> ()
    "tpu.region"() ({
      %run_scoped3A = tpu.sem_alloc : memref<!tpu.dma_semaphore, #tpu.memory_space<semaphore_mem>>
      tpu.enqueue_dma source(%arg3 : memref<40x16xf32, #tpu.memory_space<hbm>>) target(%arg7 : memref<40x16xf32, #tpu.memory_space<vmem>>) target_semaphore(%run_scoped3A : memref<!tpu.dma_semaphore, #tpu.memory_space<semaphore_mem>>)
      tpu.wait_dma2 semaphore(%run_scoped3A : memref<!tpu.dma_semaphore, #tpu.memory_space<semaphore_mem>>) src(%arg3 : memref<40x16xf32, #tpu.memory_space<hbm>>) dst(%arg7 : memref<40x16xf32, #tpu.memory_space<vmem>>)
      tpu.yield
    }) : () -> ()
    %lt3A = arith.constant 15 : i32
    %lt3A_1 = arith.cmpi slt, %arg1, %lt3A : i32
    %convert_element_type3A = arith.extui %lt3A_1 : i1 to i32
    %cond3A = arith.constant 0 : i32
    %cond3A_2 = arith.cmpi ne, %convert_element_type3A, %cond3A : i32
    scf.if %cond3A_2 {
      %mul3A_22 = arith.constant 624 : i32
      %mul3A_23 = arith.muli %arg1, %mul3A_22 : i32
      "tpu.region"() ({
        %run_scoped3A = tpu.sem_alloc : memref<!tpu.dma_semaphore, #tpu.memory_space<semaphore_mem>>
        %dma_start3A = arith.constant 0 : i32
        %dma_start3A_24 = tpu.memref_slice %arg8[%mul3A_23, %dma_start3A] : memref<10000x16xf32, #tpu.memory_space<vmem_shared>> -> memref<624x16xf32, #tpu.memory_space<vmem_shared>>
        %dma_start3A_25 = arith.constant 0 : i32
        %dma_start3A_26 = tpu.memref_slice %arg4[%mul3A_23, %dma_start3A_25] : memref<10000x16xf32, #tpu.memory_space<hbm>> -> memref<624x16xf32, #tpu.memory_space<hbm>>
        tpu.enqueue_dma source(%dma_start3A_26 : memref<624x16xf32, #tpu.memory_space<hbm>>) target(%dma_start3A_24 : memref<624x16xf32, #tpu.memory_space<vmem_shared>>) target_semaphore(%run_scoped3A : memref<!tpu.dma_semaphore, #tpu.memory_space<semaphore_mem>>)
        %dma_wait3A = arith.constant 0 : i32
        %dma_wait3A_27 = tpu.memref_slice %arg8[%mul3A_23, %dma_wait3A] : memref<10000x16xf32, #tpu.memory_space<vmem_shared>> -> memref<624x16xf32, #tpu.memory_space<vmem_shared>>
        %dma_wait3A_28 = arith.constant 0 : i32
        %dma_wait3A_29 = tpu.memref_slice %arg4[%mul3A_23, %dma_wait3A_28] : memref<10000x16xf32, #tpu.memory_space<hbm>> -> memref<624x16xf32, #tpu.memory_space<hbm>>
        tpu.wait_dma2 semaphore(%run_scoped3A : memref<!tpu.dma_semaphore, #tpu.memory_space<semaphore_mem>>) src(%dma_wait3A_29 : memref<624x16xf32, #tpu.memory_space<hbm>>) dst(%dma_wait3A_27 : memref<624x16xf32, #tpu.memory_space<vmem_shared>>)
        tpu.yield
      }) : () -> ()
    } else {
    }
    %eq3A = arith.constant 15 : i32
    %eq3A_3 = arith.cmpi eq, %arg1, %eq3A : i32
    %convert_element_type3A_4 = arith.extui %eq3A_3 : i1 to i32
    %cond3A_5 = arith.constant 0 : i32
    %cond3A_6 = arith.cmpi ne, %convert_element_type3A_4, %cond3A_5 : i32
    scf.if %cond3A_6 {
      "tpu.region"() ({
        %run_scoped3A = tpu.sem_alloc : memref<!tpu.dma_semaphore, #tpu.memory_space<semaphore_mem>>
        %dma_start3A = arith.constant 9360 : i32
        %dma_start3A_22 = arith.constant 0 : i32
        %dma_start3A_23 = tpu.memref_slice %arg8[%dma_start3A, %dma_start3A_22] : memref<10000x16xf32, #tpu.memory_space<vmem_shared>> -> memref<640x16xf32, #tpu.memory_space<vmem_shared>>
        %dma_start3A_24 = arith.constant 9360 : i32
        %dma_start3A_25 = arith.constant 0 : i32
        %dma_start3A_26 = tpu.memref_slice %arg4[%dma_start3A_24, %dma_start3A_25] : memref<10000x16xf32, #tpu.memory_space<hbm>> -> memref<640x16xf32, #tpu.memory_space<hbm>>
        tpu.enqueue_dma source(%dma_start3A_26 : memref<640x16xf32, #tpu.memory_space<hbm>>) target(%dma_start3A_23 : memref<640x16xf32, #tpu.memory_space<vmem_shared>>) target_semaphore(%run_scoped3A : memref<!tpu.dma_semaphore, #tpu.memory_space<semaphore_mem>>)
        %dma_wait3A = arith.constant 9360 : i32
        %dma_wait3A_27 = arith.constant 0 : i32
        %dma_wait3A_28 = tpu.memref_slice %arg8[%dma_wait3A, %dma_wait3A_27] : memref<10000x16xf32, #tpu.memory_space<vmem_shared>> -> memref<640x16xf32, #tpu.memory_space<vmem_shared>>
        %dma_wait3A_29 = arith.constant 9360 : i32
        %dma_wait3A_30 = arith.constant 0 : i32
        %dma_wait3A_31 = tpu.memref_slice %arg4[%dma_wait3A_29, %dma_wait3A_30] : memref<10000x16xf32, #tpu.memory_space<hbm>> -> memref<640x16xf32, #tpu.memory_space<hbm>>
        tpu.wait_dma2 semaphore(%run_scoped3A : memref<!tpu.dma_semaphore, #tpu.memory_space<semaphore_mem>>) src(%dma_wait3A_31 : memref<640x16xf32, #tpu.memory_space<hbm>>) dst(%dma_wait3A_28 : memref<640x16xf32, #tpu.memory_space<vmem_shared>>)
        tpu.yield
      }) : () -> ()
    } else {
    }
    %barrier3A = arith.constant 0 : index
    tpu.barrier barrier_id(%barrier3A)
    %scan3A = arith.constant 0 : i32
    %scan3A_7 = arith.constant 250 : i32
    %scan3A_8 = arith.addi %scan3A, %scan3A_7 : i32
    %scan3A_9 = arith.constant 1 : i32
    scf.for %scan3A_22 = %scan3A to %scan3A_8 step %scan3A_9  : i32 {
      %mul3A_23 = arith.constant 1 : i32
      %mul3A_24 = arith.muli %scan3A_22, %mul3A_23 : i32
      %add3A_25 = arith.constant 0 : i32
      %add3A_26 = arith.addi %add3A_25, %mul3A_24 : i32
      "tpu.region"() ({
        %run_scoped3A = tpu.sem_alloc : memref<!tpu.dma_semaphore, #tpu.memory_space<semaphore_mem>>
        %dma_start3A = arith.constant 0 : i32
        %dma_start3A_27 = tpu.memref_slice %arg6[%add3A_26, %dma_start3A] : memref<250x40xi32, #tpu.memory_space<vmem>> -> memref<1x40xi32, #tpu.memory_space<vmem>>
        %dma_start3A_28 = tpu.memref_squeeze %dma_start3A_27 : memref<1x40xi32, #tpu.memory_space<vmem>> -> memref<40xi32, #tpu.memory_space<vmem>>
        %dma_start3A_29 = arith.constant 0 : i32
        %dma_start3A_30 = arith.constant 0 : i32
        %dma_start3A_31 = tpu.memref_slice %arg8[%dma_start3A_29, %dma_start3A_30] : memref<10000x16xf32, #tpu.memory_space<vmem_shared>> -> memref<10000x16xf32, #tpu.memory_space<vmem_shared>>
        tpu.enqueue_indirect_dma source(%arg7 : memref<40x16xf32, #tpu.memory_space<vmem>>) target(%dma_start3A_31 : memref<10000x16xf32, #tpu.memory_space<vmem_shared>>) offsets(%dma_start3A_28 : memref<40xi32, #tpu.memory_space<vmem>>) semaphore(%run_scoped3A : memref<!tpu.dma_semaphore, #tpu.memory_space<semaphore_mem>>) {add = true}
        %dma_wait3A = arith.constant 0 : i32
        %dma_wait3A_32 = tpu.memref_slice %arg6[%add3A_26, %dma_wait3A] : memref<250x40xi32, #tpu.memory_space<vmem>> -> memref<1x40xi32, #tpu.memory_space<vmem>>
        %dma_wait3A_33 = tpu.memref_squeeze %dma_wait3A_32 : memref<1x40xi32, #tpu.memory_space<vmem>> -> memref<40xi32, #tpu.memory_space<vmem>>
        %dma_wait3A_34 = arith.constant 0 : i32
        %dma_wait3A_35 = arith.constant 0 : i32
        %dma_wait3A_36 = tpu.memref_slice %arg8[%dma_wait3A_34, %dma_wait3A_35] : memref<10000x16xf32, #tpu.memory_space<vmem_shared>> -> memref<10000x16xf32, #tpu.memory_space<vmem_shared>>
        tpu.wait_indirect_dma semaphore(%run_scoped3A : memref<!tpu.dma_semaphore, #tpu.memory_space<semaphore_mem>>) src(%arg7 : memref<40x16xf32, #tpu.memory_space<vmem>>) dst(%dma_wait3A_36 : memref<10000x16xf32, #tpu.memory_space<vmem_shared>>)
        tpu.yield
      }) : () -> ()
    }
    %scan3A_10 = arith.constant 250 : i32
    %barrier3A_11 = arith.constant 0 : index
    tpu.barrier barrier_id(%barrier3A_11)
    %lt3A_12 = arith.constant 15 : i32
    %lt3A_13 = arith.cmpi slt, %arg1, %lt3A_12 : i32
    %convert_element_type3A_14 = arith.extui %lt3A_13 : i1 to i32
    %cond3A_15 = arith.constant 0 : i32
    %cond3A_16 = arith.cmpi ne, %convert_element_type3A_14, %cond3A_15 : i32
    scf.if %cond3A_16 {
      %mul3A_22 = arith.constant 624 : i32
      %mul3A_23 = arith.muli %arg1, %mul3A_22 : i32
      "tpu.region"() ({
        %run_scoped3A = tpu.sem_alloc : memref<!tpu.dma_semaphore, #tpu.memory_space<semaphore_mem>>
        %dma_start3A = arith.constant 0 : i32
        %dma_start3A_24 = tpu.memref_slice %arg5[%arg0, %mul3A_23, %dma_start3A] : memref<2x10000x16xf32, #tpu.memory_space<hbm>> -> memref<1x624x16xf32, #tpu.memory_space<hbm>>
        %dma_start3A_25 = tpu.memref_squeeze %dma_start3A_24 : memref<1x624x16xf32, #tpu.memory_space<hbm>> -> memref<624x16xf32, #tpu.memory_space<hbm>>
        %dma_start3A_26 = arith.constant 0 : i32
        %dma_start3A_27 = tpu.memref_slice %arg8[%mul3A_23, %dma_start3A_26] : memref<10000x16xf32, #tpu.memory_space<vmem_shared>> -> memref<624x16xf32, #tpu.memory_space<vmem_shared>>
        tpu.enqueue_dma source(%dma_start3A_27 : memref<624x16xf32, #tpu.memory_space<vmem_shared>>) target(%dma_start3A_25 : memref<624x16xf32, #tpu.memory_space<hbm>>) target_semaphore(%run_scoped3A : memref<!tpu.dma_semaphore, #tpu.memory_space<semaphore_mem>>)
        %dma_wait3A = arith.constant 0 : i32
        %dma_wait3A_28 = tpu.memref_slice %arg5[%arg0, %mul3A_23, %dma_wait3A] : memref<2x10000x16xf32, #tpu.memory_space<hbm>> -> memref<1x624x16xf32, #tpu.memory_space<hbm>>
        %dma_wait3A_29 = tpu.memref_squeeze %dma_wait3A_28 : memref<1x624x16xf32, #tpu.memory_space<hbm>> -> memref<624x16xf32, #tpu.memory_space<hbm>>
        %dma_wait3A_30 = arith.constant 0 : i32
        %dma_wait3A_31 = tpu.memref_slice %arg8[%mul3A_23, %dma_wait3A_30] : memref<10000x16xf32, #tpu.memory_space<vmem_shared>> -> memref<624x16xf32, #tpu.memory_space<vmem_shared>>
        tpu.wait_dma2 semaphore(%run_scoped3A : memref<!tpu.dma_semaphore, #tpu.memory_space<semaphore_mem>>) src(%dma_wait3A_31 : memref<624x16xf32, #tpu.memory_space<vmem_shared>>) dst(%dma_wait3A_29 : memref<624x16xf32, #tpu.memory_space<hbm>>)
        tpu.yield
      }) : () -> ()
    } else {
    }
    %eq3A_17 = arith.constant 15 : i32
    %eq3A_18 = arith.cmpi eq, %arg1, %eq3A_17 : i32
    %convert_element_type3A_19 = arith.extui %eq3A_18 : i1 to i32
    %cond3A_20 = arith.constant 0 : i32
    %cond3A_21 = arith.cmpi ne, %convert_element_type3A_19, %cond3A_20 : i32
    scf.if %cond3A_21 {
      "tpu.region"() ({
        %run_scoped3A = tpu.sem_alloc : memref<!tpu.dma_semaphore, #tpu.memory_space<semaphore_mem>>
        %dma_start3A = arith.constant 9360 : i32
        %dma_start3A_22 = arith.constant 0 : i32
        %dma_start3A_23 = tpu.memref_slice %arg5[%arg0, %dma_start3A, %dma_start3A_22] : memref<2x10000x16xf32, #tpu.memory_space<hbm>> -> memref<1x640x16xf32, #tpu.memory_space<hbm>>
        %dma_start3A_24 = tpu.memref_squeeze %dma_start3A_23 : memref<1x640x16xf32, #tpu.memory_space<hbm>> -> memref<640x16xf32, #tpu.memory_space<hbm>>
        %dma_start3A_25 = arith.constant 9360 : i32
        %dma_start3A_26 = arith.constant 0 : i32
        %dma_start3A_27 = tpu.memref_slice %arg8[%dma_start3A_25, %dma_start3A_26] : memref<10000x16xf32, #tpu.memory_space<vmem_shared>> -> memref<640x16xf32, #tpu.memory_space<vmem_shared>>
        tpu.enqueue_dma source(%dma_start3A_27 : memref<640x16xf32, #tpu.memory_space<vmem_shared>>) target(%dma_start3A_24 : memref<640x16xf32, #tpu.memory_space<hbm>>) target_semaphore(%run_scoped3A : memref<!tpu.dma_semaphore, #tpu.memory_space<semaphore_mem>>)
        %dma_wait3A = arith.constant 9360 : i32
        %dma_wait3A_28 = arith.constant 0 : i32
        %dma_wait3A_29 = tpu.memref_slice %arg5[%arg0, %dma_wait3A, %dma_wait3A_28] : memref<2x10000x16xf32, #tpu.memory_space<hbm>> -> memref<1x640x16xf32, #tpu.memory_space<hbm>>
        %dma_wait3A_30 = tpu.memref_squeeze %dma_wait3A_29 : memref<1x640x16xf32, #tpu.memory_space<hbm>> -> memref<640x16xf32, #tpu.memory_space<hbm>>
        %dma_wait3A_31 = arith.constant 9360 : i32
        %dma_wait3A_32 = arith.constant 0 : i32
        %dma_wait3A_33 = tpu.memref_slice %arg8[%dma_wait3A_31, %dma_wait3A_32] : memref<10000x16xf32, #tpu.memory_space<vmem_shared>> -> memref<640x16xf32, #tpu.memory_space<vmem_shared>>
        tpu.wait_dma2 semaphore(%run_scoped3A : memref<!tpu.dma_semaphore, #tpu.memory_space<semaphore_mem>>) src(%dma_wait3A_33 : memref<640x16xf32, #tpu.memory_space<vmem_shared>>) dst(%dma_wait3A_30 : memref<640x16xf32, #tpu.memory_space<hbm>>)
        tpu.yield
      }) : () -> ()
    } else {
    }
    return
  }
}

#map = affine_map<(d0, d1) -> (0, 0)>
#map1 = affine_map<(d0, d1) -> (0, 0, 0)>
module attributes {stable_mosaic.version = 14 : i64} {
  func.func @k(%arg0: i32, %arg1: i32, %arg2: memref<10000x80xf32, #tpu.memory_space<hbm>>, %arg3: memref<32x250x40xi32, #tpu.memory_space<hbm>>, %arg4: memref<32x250x40xi32, #tpu.memory_space<hbm>>, %arg5: memref<10000x80xf32, #tpu.memory_space<hbm>>, %arg6: memref<2x10000x80xf32, #tpu.memory_space<hbm>>, %arg7: memref<250x40xi32, #tpu.memory_space<vmem>>, %arg8: memref<250x40xi32, #tpu.memory_space<vmem>>, %arg9: memref<40x80xf32, #tpu.memory_space<vmem>>, %arg10: memref<40x80xf32, #tpu.memory_space<vmem>>, %arg11: memref<10000x80xf32, #tpu.memory_space<vmem_shared>>, %arg12: memref<!tpu.dma_semaphore, #tpu.memory_space<semaphore_mem>>, %arg13: memref<!tpu.dma_semaphore, #tpu.memory_space<semaphore_mem>>) attributes {dimension_semantics = [#tpu.dimension_semantics<core_parallel>, #tpu.dimension_semantics<subcore_parallel>], iteration_bounds = array<i64: 2, 16>, scalar_prefetch = 0 : i64, scratch_operands = 7 : i64, tpu.core_type = #tpu.core_type<sc_vector_subcore>, window_params = [{transform_indices = #map}, {transform_indices = #map1}, {transform_indices = #map1}, {transform_indices = #map}, {transform_indices = #map1}]} {
    %mul3A = arith.constant 2 : i32
    %mul3A_0 = arith.muli %arg1, %mul3A : i32
    %add3A = arith.addi %mul3A_0, %arg0 : i32
    "tpu.region"() ({
      %run_scoped3A = tpu.sem_alloc : memref<!tpu.dma_semaphore, #tpu.memory_space<semaphore_mem>>
      %dma_start3A_28 = arith.constant 0 : i32
      %dma_start3A_29 = arith.constant 0 : i32
      %dma_start3A_30 = tpu.memref_slice %arg3[%add3A, %dma_start3A_28, %dma_start3A_29] : memref<32x250x40xi32, #tpu.memory_space<hbm>> -> memref<1x250x40xi32, #tpu.memory_space<hbm>>
      %dma_start3A_31 = tpu.memref_squeeze %dma_start3A_30 : memref<1x250x40xi32, #tpu.memory_space<hbm>> -> memref<250x40xi32, #tpu.memory_space<hbm>>
      %dma_start3A_32 = arith.constant 0 : i32
      %dma_start3A_33 = arith.constant 0 : i32
      %dma_start3A_34 = tpu.memref_slice %arg3[%add3A, %dma_start3A_32, %dma_start3A_33] : memref<32x250x40xi32, #tpu.memory_space<hbm>> -> memref<1x250x40xi32, #tpu.memory_space<hbm>>
      %dma_start3A_35 = tpu.memref_squeeze %dma_start3A_34 : memref<1x250x40xi32, #tpu.memory_space<hbm>> -> memref<250x40xi32, #tpu.memory_space<hbm>>
      tpu.enqueue_dma source(%dma_start3A_35 : memref<250x40xi32, #tpu.memory_space<hbm>>) target(%arg7 : memref<250x40xi32, #tpu.memory_space<vmem>>) target_semaphore(%run_scoped3A : memref<!tpu.dma_semaphore, #tpu.memory_space<semaphore_mem>>)
      %dma_wait3A = arith.constant 0 : i32
      %dma_wait3A_36 = arith.constant 0 : i32
      %dma_wait3A_37 = tpu.memref_slice %arg3[%add3A, %dma_wait3A, %dma_wait3A_36] : memref<32x250x40xi32, #tpu.memory_space<hbm>> -> memref<1x250x40xi32, #tpu.memory_space<hbm>>
      %dma_wait3A_38 = tpu.memref_squeeze %dma_wait3A_37 : memref<1x250x40xi32, #tpu.memory_space<hbm>> -> memref<250x40xi32, #tpu.memory_space<hbm>>
      %dma_wait3A_39 = arith.constant 0 : i32
      %dma_wait3A_40 = arith.constant 0 : i32
      %dma_wait3A_41 = tpu.memref_slice %arg3[%add3A, %dma_wait3A_39, %dma_wait3A_40] : memref<32x250x40xi32, #tpu.memory_space<hbm>> -> memref<1x250x40xi32, #tpu.memory_space<hbm>>
      %dma_wait3A_42 = tpu.memref_squeeze %dma_wait3A_41 : memref<1x250x40xi32, #tpu.memory_space<hbm>> -> memref<250x40xi32, #tpu.memory_space<hbm>>
      tpu.wait_dma2 semaphore(%run_scoped3A : memref<!tpu.dma_semaphore, #tpu.memory_space<semaphore_mem>>) src(%dma_wait3A_42 : memref<250x40xi32, #tpu.memory_space<hbm>>) dst(%arg7 : memref<250x40xi32, #tpu.memory_space<vmem>>)
      tpu.yield
    }) : () -> ()
    "tpu.region"() ({
      %run_scoped3A = tpu.sem_alloc : memref<!tpu.dma_semaphore, #tpu.memory_space<semaphore_mem>>
      %dma_start3A_28 = arith.constant 0 : i32
      %dma_start3A_29 = arith.constant 0 : i32
      %dma_start3A_30 = tpu.memref_slice %arg4[%add3A, %dma_start3A_28, %dma_start3A_29] : memref<32x250x40xi32, #tpu.memory_space<hbm>> -> memref<1x250x40xi32, #tpu.memory_space<hbm>>
      %dma_start3A_31 = tpu.memref_squeeze %dma_start3A_30 : memref<1x250x40xi32, #tpu.memory_space<hbm>> -> memref<250x40xi32, #tpu.memory_space<hbm>>
      %dma_start3A_32 = arith.constant 0 : i32
      %dma_start3A_33 = arith.constant 0 : i32
      %dma_start3A_34 = tpu.memref_slice %arg4[%add3A, %dma_start3A_32, %dma_start3A_33] : memref<32x250x40xi32, #tpu.memory_space<hbm>> -> memref<1x250x40xi32, #tpu.memory_space<hbm>>
      %dma_start3A_35 = tpu.memref_squeeze %dma_start3A_34 : memref<1x250x40xi32, #tpu.memory_space<hbm>> -> memref<250x40xi32, #tpu.memory_space<hbm>>
      tpu.enqueue_dma source(%dma_start3A_35 : memref<250x40xi32, #tpu.memory_space<hbm>>) target(%arg8 : memref<250x40xi32, #tpu.memory_space<vmem>>) target_semaphore(%run_scoped3A : memref<!tpu.dma_semaphore, #tpu.memory_space<semaphore_mem>>)
      %dma_wait3A = arith.constant 0 : i32
      %dma_wait3A_36 = arith.constant 0 : i32
      %dma_wait3A_37 = tpu.memref_slice %arg4[%add3A, %dma_wait3A, %dma_wait3A_36] : memref<32x250x40xi32, #tpu.memory_space<hbm>> -> memref<1x250x40xi32, #tpu.memory_space<hbm>>
      %dma_wait3A_38 = tpu.memref_squeeze %dma_wait3A_37 : memref<1x250x40xi32, #tpu.memory_space<hbm>> -> memref<250x40xi32, #tpu.memory_space<hbm>>
      %dma_wait3A_39 = arith.constant 0 : i32
      %dma_wait3A_40 = arith.constant 0 : i32
      %dma_wait3A_41 = tpu.memref_slice %arg4[%add3A, %dma_wait3A_39, %dma_wait3A_40] : memref<32x250x40xi32, #tpu.memory_space<hbm>> -> memref<1x250x40xi32, #tpu.memory_space<hbm>>
      %dma_wait3A_42 = tpu.memref_squeeze %dma_wait3A_41 : memref<1x250x40xi32, #tpu.memory_space<hbm>> -> memref<250x40xi32, #tpu.memory_space<hbm>>
      tpu.wait_dma2 semaphore(%run_scoped3A : memref<!tpu.dma_semaphore, #tpu.memory_space<semaphore_mem>>) src(%dma_wait3A_42 : memref<250x40xi32, #tpu.memory_space<hbm>>) dst(%arg8 : memref<250x40xi32, #tpu.memory_space<vmem>>)
      tpu.yield
    }) : () -> ()
    %lt3A = arith.constant 15 : i32
    %lt3A_1 = arith.cmpi slt, %arg1, %lt3A : i32
    %convert_element_type3A = arith.extui %lt3A_1 : i1 to i32
    %cond3A = arith.constant 0 : i32
    %cond3A_2 = arith.cmpi ne, %convert_element_type3A, %cond3A : i32
    scf.if %cond3A_2 {
      %mul3A_28 = arith.constant 624 : i32
      %mul3A_29 = arith.muli %arg1, %mul3A_28 : i32
      "tpu.region"() ({
        %run_scoped3A = tpu.sem_alloc : memref<!tpu.dma_semaphore, #tpu.memory_space<semaphore_mem>>
        %dma_start3A_30 = arith.constant 0 : i32
        %dma_start3A_31 = tpu.memref_slice %arg11[%mul3A_29, %dma_start3A_30] : memref<10000x80xf32, #tpu.memory_space<vmem_shared>> -> memref<624x80xf32, #tpu.memory_space<vmem_shared>>
        %dma_start3A_32 = arith.constant 0 : i32
        %dma_start3A_33 = tpu.memref_slice %arg5[%mul3A_29, %dma_start3A_32] : memref<10000x80xf32, #tpu.memory_space<hbm>> -> memref<624x80xf32, #tpu.memory_space<hbm>>
        tpu.enqueue_dma source(%dma_start3A_33 : memref<624x80xf32, #tpu.memory_space<hbm>>) target(%dma_start3A_31 : memref<624x80xf32, #tpu.memory_space<vmem_shared>>) target_semaphore(%run_scoped3A : memref<!tpu.dma_semaphore, #tpu.memory_space<semaphore_mem>>)
        %dma_wait3A = arith.constant 0 : i32
        %dma_wait3A_34 = tpu.memref_slice %arg11[%mul3A_29, %dma_wait3A] : memref<10000x80xf32, #tpu.memory_space<vmem_shared>> -> memref<624x80xf32, #tpu.memory_space<vmem_shared>>
        %dma_wait3A_35 = arith.constant 0 : i32
        %dma_wait3A_36 = tpu.memref_slice %arg5[%mul3A_29, %dma_wait3A_35] : memref<10000x80xf32, #tpu.memory_space<hbm>> -> memref<624x80xf32, #tpu.memory_space<hbm>>
        tpu.wait_dma2 semaphore(%run_scoped3A : memref<!tpu.dma_semaphore, #tpu.memory_space<semaphore_mem>>) src(%dma_wait3A_36 : memref<624x80xf32, #tpu.memory_space<hbm>>) dst(%dma_wait3A_34 : memref<624x80xf32, #tpu.memory_space<vmem_shared>>)
        tpu.yield
      }) : () -> ()
    } else {
    }
    %eq3A = arith.constant 15 : i32
    %eq3A_3 = arith.cmpi eq, %arg1, %eq3A : i32
    %convert_element_type3A_4 = arith.extui %eq3A_3 : i1 to i32
    %cond3A_5 = arith.constant 0 : i32
    %cond3A_6 = arith.cmpi ne, %convert_element_type3A_4, %cond3A_5 : i32
    scf.if %cond3A_6 {
      "tpu.region"() ({
        %run_scoped3A = tpu.sem_alloc : memref<!tpu.dma_semaphore, #tpu.memory_space<semaphore_mem>>
        %dma_start3A_28 = arith.constant 9360 : i32
        %dma_start3A_29 = arith.constant 0 : i32
        %dma_start3A_30 = tpu.memref_slice %arg11[%dma_start3A_28, %dma_start3A_29] : memref<10000x80xf32, #tpu.memory_space<vmem_shared>> -> memref<640x80xf32, #tpu.memory_space<vmem_shared>>
        %dma_start3A_31 = arith.constant 9360 : i32
        %dma_start3A_32 = arith.constant 0 : i32
        %dma_start3A_33 = tpu.memref_slice %arg5[%dma_start3A_31, %dma_start3A_32] : memref<10000x80xf32, #tpu.memory_space<hbm>> -> memref<640x80xf32, #tpu.memory_space<hbm>>
        tpu.enqueue_dma source(%dma_start3A_33 : memref<640x80xf32, #tpu.memory_space<hbm>>) target(%dma_start3A_30 : memref<640x80xf32, #tpu.memory_space<vmem_shared>>) target_semaphore(%run_scoped3A : memref<!tpu.dma_semaphore, #tpu.memory_space<semaphore_mem>>)
        %dma_wait3A = arith.constant 9360 : i32
        %dma_wait3A_34 = arith.constant 0 : i32
        %dma_wait3A_35 = tpu.memref_slice %arg11[%dma_wait3A, %dma_wait3A_34] : memref<10000x80xf32, #tpu.memory_space<vmem_shared>> -> memref<640x80xf32, #tpu.memory_space<vmem_shared>>
        %dma_wait3A_36 = arith.constant 9360 : i32
        %dma_wait3A_37 = arith.constant 0 : i32
        %dma_wait3A_38 = tpu.memref_slice %arg5[%dma_wait3A_36, %dma_wait3A_37] : memref<10000x80xf32, #tpu.memory_space<hbm>> -> memref<640x80xf32, #tpu.memory_space<hbm>>
        tpu.wait_dma2 semaphore(%run_scoped3A : memref<!tpu.dma_semaphore, #tpu.memory_space<semaphore_mem>>) src(%dma_wait3A_38 : memref<640x80xf32, #tpu.memory_space<hbm>>) dst(%dma_wait3A_35 : memref<640x80xf32, #tpu.memory_space<vmem_shared>>)
        tpu.yield
      }) : () -> ()
    } else {
    }
    %barrier3A = arith.constant 0 : index
    tpu.barrier barrier_id(%barrier3A)
    %dma_start3A = arith.constant 0 : i32
    %dma_start3A_7 = arith.constant 0 : i32
    %dma_start3A_8 = tpu.memref_slice %arg7[%dma_start3A, %dma_start3A_7] : memref<250x40xi32, #tpu.memory_space<vmem>> -> memref<1x40xi32, #tpu.memory_space<vmem>>
    %dma_start3A_9 = tpu.memref_squeeze %dma_start3A_8 : memref<1x40xi32, #tpu.memory_space<vmem>> -> memref<40xi32, #tpu.memory_space<vmem>>
    %dma_start3A_10 = arith.constant 0 : i32
    %dma_start3A_11 = arith.constant 0 : i32
    %dma_start3A_12 = tpu.memref_slice %arg2[%dma_start3A_10, %dma_start3A_11] : memref<10000x80xf32, #tpu.memory_space<hbm>> -> memref<10000x80xf32, #tpu.memory_space<hbm>>
    tpu.enqueue_indirect_dma source(%dma_start3A_12 : memref<10000x80xf32, #tpu.memory_space<hbm>>) target(%arg9 : memref<40x80xf32, #tpu.memory_space<vmem>>) offsets(%dma_start3A_9 : memref<40xi32, #tpu.memory_space<vmem>>) semaphore(%arg12 : memref<!tpu.dma_semaphore, #tpu.memory_space<semaphore_mem>>)
    %scan3A = arith.constant 0 : i32
    %scan3A_13 = arith.constant 125 : i32
    %scan3A_14 = arith.addi %scan3A, %scan3A_13 : i32
    %scan3A_15 = arith.constant 1 : i32
    scf.for %scan3A_28 = %scan3A to %scan3A_14 step %scan3A_15  : i32 {
      %mul3A_29 = arith.constant 2 : i32
      %mul3A_30 = arith.muli %scan3A_28, %mul3A_29 : i32
      %add3A_31 = arith.constant 0 : i32
      %add3A_32 = arith.addi %add3A_31, %mul3A_30 : i32
      %dma_wait3A = arith.constant 0 : i32
      %dma_wait3A_33 = tpu.memref_slice %arg7[%add3A_32, %dma_wait3A] : memref<250x40xi32, #tpu.memory_space<vmem>> -> memref<1x40xi32, #tpu.memory_space<vmem>>
      %dma_wait3A_34 = tpu.memref_squeeze %dma_wait3A_33 : memref<1x40xi32, #tpu.memory_space<vmem>> -> memref<40xi32, #tpu.memory_space<vmem>>
      %dma_wait3A_35 = arith.constant 0 : i32
      %dma_wait3A_36 = arith.constant 0 : i32
      %dma_wait3A_37 = tpu.memref_slice %arg2[%dma_wait3A_35, %dma_wait3A_36] : memref<10000x80xf32, #tpu.memory_space<hbm>> -> memref<10000x80xf32, #tpu.memory_space<hbm>>
      tpu.wait_indirect_dma semaphore(%arg12 : memref<!tpu.dma_semaphore, #tpu.memory_space<semaphore_mem>>) src(%dma_wait3A_37 : memref<10000x80xf32, #tpu.memory_space<hbm>>) dst(%arg9 : memref<40x80xf32, #tpu.memory_space<vmem>>)
      %add3A_38 = arith.constant 1 : i32
      %add3A_39 = arith.addi %add3A_32, %add3A_38 : i32
      %dma_start3A_40 = arith.constant 0 : i32
      %dma_start3A_41 = tpu.memref_slice %arg7[%add3A_39, %dma_start3A_40] : memref<250x40xi32, #tpu.memory_space<vmem>> -> memref<1x40xi32, #tpu.memory_space<vmem>>
      %dma_start3A_42 = tpu.memref_squeeze %dma_start3A_41 : memref<1x40xi32, #tpu.memory_space<vmem>> -> memref<40xi32, #tpu.memory_space<vmem>>
      %dma_start3A_43 = arith.constant 0 : i32
      %dma_start3A_44 = arith.constant 0 : i32
      %dma_start3A_45 = tpu.memref_slice %arg2[%dma_start3A_43, %dma_start3A_44] : memref<10000x80xf32, #tpu.memory_space<hbm>> -> memref<10000x80xf32, #tpu.memory_space<hbm>>
      tpu.enqueue_indirect_dma source(%dma_start3A_45 : memref<10000x80xf32, #tpu.memory_space<hbm>>) target(%arg10 : memref<40x80xf32, #tpu.memory_space<vmem>>) offsets(%dma_start3A_42 : memref<40xi32, #tpu.memory_space<vmem>>) semaphore(%arg13 : memref<!tpu.dma_semaphore, #tpu.memory_space<semaphore_mem>>)
      "tpu.region"() ({
        %run_scoped3A = tpu.sem_alloc : memref<!tpu.dma_semaphore, #tpu.memory_space<semaphore_mem>>
        %dma_start3A_63 = arith.constant 0 : i32
        %dma_start3A_64 = tpu.memref_slice %arg8[%add3A_32, %dma_start3A_63] : memref<250x40xi32, #tpu.memory_space<vmem>> -> memref<1x40xi32, #tpu.memory_space<vmem>>
        %dma_start3A_65 = tpu.memref_squeeze %dma_start3A_64 : memref<1x40xi32, #tpu.memory_space<vmem>> -> memref<40xi32, #tpu.memory_space<vmem>>
        %dma_start3A_66 = arith.constant 0 : i32
        %dma_start3A_67 = arith.constant 0 : i32
        %dma_start3A_68 = tpu.memref_slice %arg11[%dma_start3A_66, %dma_start3A_67] : memref<10000x80xf32, #tpu.memory_space<vmem_shared>> -> memref<10000x80xf32, #tpu.memory_space<vmem_shared>>
        tpu.enqueue_indirect_dma source(%arg9 : memref<40x80xf32, #tpu.memory_space<vmem>>) target(%dma_start3A_68 : memref<10000x80xf32, #tpu.memory_space<vmem_shared>>) offsets(%dma_start3A_65 : memref<40xi32, #tpu.memory_space<vmem>>) semaphore(%run_scoped3A : memref<!tpu.dma_semaphore, #tpu.memory_space<semaphore_mem>>) {add = true}
        %dma_wait3A_69 = arith.constant 0 : i32
        %dma_wait3A_70 = tpu.memref_slice %arg8[%add3A_32, %dma_wait3A_69] : memref<250x40xi32, #tpu.memory_space<vmem>> -> memref<1x40xi32, #tpu.memory_space<vmem>>
        %dma_wait3A_71 = tpu.memref_squeeze %dma_wait3A_70 : memref<1x40xi32, #tpu.memory_space<vmem>> -> memref<40xi32, #tpu.memory_space<vmem>>
        %dma_wait3A_72 = arith.constant 0 : i32
        %dma_wait3A_73 = arith.constant 0 : i32
        %dma_wait3A_74 = tpu.memref_slice %arg11[%dma_wait3A_72, %dma_wait3A_73] : memref<10000x80xf32, #tpu.memory_space<vmem_shared>> -> memref<10000x80xf32, #tpu.memory_space<vmem_shared>>
        tpu.wait_indirect_dma semaphore(%run_scoped3A : memref<!tpu.dma_semaphore, #tpu.memory_space<semaphore_mem>>) src(%arg9 : memref<40x80xf32, #tpu.memory_space<vmem>>) dst(%dma_wait3A_74 : memref<10000x80xf32, #tpu.memory_space<vmem_shared>>)
        tpu.yield
      }) : () -> ()
      %add3A_46 = arith.constant 1 : i32
      %add3A_47 = arith.addi %add3A_32, %add3A_46 : i32
      %dma_wait3A_48 = arith.constant 0 : i32
      %dma_wait3A_49 = tpu.memref_slice %arg7[%add3A_47, %dma_wait3A_48] : memref<250x40xi32, #tpu.memory_space<vmem>> -> memref<1x40xi32, #tpu.memory_space<vmem>>
      %dma_wait3A_50 = tpu.memref_squeeze %dma_wait3A_49 : memref<1x40xi32, #tpu.memory_space<vmem>> -> memref<40xi32, #tpu.memory_space<vmem>>
      %dma_wait3A_51 = arith.constant 0 : i32
      %dma_wait3A_52 = arith.constant 0 : i32
      %dma_wait3A_53 = tpu.memref_slice %arg2[%dma_wait3A_51, %dma_wait3A_52] : memref<10000x80xf32, #tpu.memory_space<hbm>> -> memref<10000x80xf32, #tpu.memory_space<hbm>>
      tpu.wait_indirect_dma semaphore(%arg13 : memref<!tpu.dma_semaphore, #tpu.memory_space<semaphore_mem>>) src(%dma_wait3A_53 : memref<10000x80xf32, #tpu.memory_space<hbm>>) dst(%arg10 : memref<40x80xf32, #tpu.memory_space<vmem>>)
      %add3A_54 = arith.constant 2 : i32
      %add3A_55 = arith.addi %add3A_32, %add3A_54 : i32
      %lt3A_56 = arith.constant 250 : i32
      %lt3A_57 = arith.cmpi slt, %add3A_55, %lt3A_56 : i32
      %convert_element_type3A_58 = arith.extui %lt3A_57 : i1 to i32
      %cond3A_59 = arith.constant 0 : i32
      %cond3A_60 = arith.cmpi ne, %convert_element_type3A_58, %cond3A_59 : i32
      scf.if %cond3A_60 {
        %add3A_63 = arith.constant 2 : i32
        %add3A_64 = arith.addi %add3A_32, %add3A_63 : i32
        %dma_start3A_65 = arith.constant 0 : i32
        %dma_start3A_66 = tpu.memref_slice %arg7[%add3A_64, %dma_start3A_65] : memref<250x40xi32, #tpu.memory_space<vmem>> -> memref<1x40xi32, #tpu.memory_space<vmem>>
        %dma_start3A_67 = tpu.memref_squeeze %dma_start3A_66 : memref<1x40xi32, #tpu.memory_space<vmem>> -> memref<40xi32, #tpu.memory_space<vmem>>
        %dma_start3A_68 = arith.constant 0 : i32
        %dma_start3A_69 = arith.constant 0 : i32
        %dma_start3A_70 = tpu.memref_slice %arg2[%dma_start3A_68, %dma_start3A_69] : memref<10000x80xf32, #tpu.memory_space<hbm>> -> memref<10000x80xf32, #tpu.memory_space<hbm>>
        tpu.enqueue_indirect_dma source(%dma_start3A_70 : memref<10000x80xf32, #tpu.memory_space<hbm>>) target(%arg9 : memref<40x80xf32, #tpu.memory_space<vmem>>) offsets(%dma_start3A_67 : memref<40xi32, #tpu.memory_space<vmem>>) semaphore(%arg12 : memref<!tpu.dma_semaphore, #tpu.memory_space<semaphore_mem>>)
      } else {
      }
      %add3A_61 = arith.constant 1 : i32
      %add3A_62 = arith.addi %add3A_32, %add3A_61 : i32
      "tpu.region"() ({
        %run_scoped3A = tpu.sem_alloc : memref<!tpu.dma_semaphore, #tpu.memory_space<semaphore_mem>>
        %dma_start3A_63 = arith.constant 0 : i32
        %dma_start3A_64 = tpu.memref_slice %arg8[%add3A_62, %dma_start3A_63] : memref<250x40xi32, #tpu.memory_space<vmem>> -> memref<1x40xi32, #tpu.memory_space<vmem>>
        %dma_start3A_65 = tpu.memref_squeeze %dma_start3A_64 : memref<1x40xi32, #tpu.memory_space<vmem>> -> memref<40xi32, #tpu.memory_space<vmem>>
        %dma_start3A_66 = arith.constant 0 : i32
        %dma_start3A_67 = arith.constant 0 : i32
        %dma_start3A_68 = tpu.memref_slice %arg11[%dma_start3A_66, %dma_start3A_67] : memref<10000x80xf32, #tpu.memory_space<vmem_shared>> -> memref<10000x80xf32, #tpu.memory_space<vmem_shared>>
        tpu.enqueue_indirect_dma source(%arg10 : memref<40x80xf32, #tpu.memory_space<vmem>>) target(%dma_start3A_68 : memref<10000x80xf32, #tpu.memory_space<vmem_shared>>) offsets(%dma_start3A_65 : memref<40xi32, #tpu.memory_space<vmem>>) semaphore(%run_scoped3A : memref<!tpu.dma_semaphore, #tpu.memory_space<semaphore_mem>>) {add = true}
        %dma_wait3A_69 = arith.constant 0 : i32
        %dma_wait3A_70 = tpu.memref_slice %arg8[%add3A_62, %dma_wait3A_69] : memref<250x40xi32, #tpu.memory_space<vmem>> -> memref<1x40xi32, #tpu.memory_space<vmem>>
        %dma_wait3A_71 = tpu.memref_squeeze %dma_wait3A_70 : memref<1x40xi32, #tpu.memory_space<vmem>> -> memref<40xi32, #tpu.memory_space<vmem>>
        %dma_wait3A_72 = arith.constant 0 : i32
        %dma_wait3A_73 = arith.constant 0 : i32
        %dma_wait3A_74 = tpu.memref_slice %arg11[%dma_wait3A_72, %dma_wait3A_73] : memref<10000x80xf32, #tpu.memory_space<vmem_shared>> -> memref<10000x80xf32, #tpu.memory_space<vmem_shared>>
        tpu.wait_indirect_dma semaphore(%run_scoped3A : memref<!tpu.dma_semaphore, #tpu.memory_space<semaphore_mem>>) src(%arg10 : memref<40x80xf32, #tpu.memory_space<vmem>>) dst(%dma_wait3A_74 : memref<10000x80xf32, #tpu.memory_space<vmem_shared>>)
        tpu.yield
      }) : () -> ()
    }
    %scan3A_16 = arith.constant 125 : i32
    %barrier3A_17 = arith.constant 0 : index
    tpu.barrier barrier_id(%barrier3A_17)
    %lt3A_18 = arith.constant 15 : i32
    %lt3A_19 = arith.cmpi slt, %arg1, %lt3A_18 : i32
    %convert_element_type3A_20 = arith.extui %lt3A_19 : i1 to i32
    %cond3A_21 = arith.constant 0 : i32
    %cond3A_22 = arith.cmpi ne, %convert_element_type3A_20, %cond3A_21 : i32
    scf.if %cond3A_22 {
      %mul3A_28 = arith.constant 624 : i32
      %mul3A_29 = arith.muli %arg1, %mul3A_28 : i32
      "tpu.region"() ({
        %run_scoped3A = tpu.sem_alloc : memref<!tpu.dma_semaphore, #tpu.memory_space<semaphore_mem>>
        %dma_start3A_30 = arith.constant 0 : i32
        %dma_start3A_31 = tpu.memref_slice %arg6[%arg0, %mul3A_29, %dma_start3A_30] : memref<2x10000x80xf32, #tpu.memory_space<hbm>> -> memref<1x624x80xf32, #tpu.memory_space<hbm>>
        %dma_start3A_32 = tpu.memref_squeeze %dma_start3A_31 : memref<1x624x80xf32, #tpu.memory_space<hbm>> -> memref<624x80xf32, #tpu.memory_space<hbm>>
        %dma_start3A_33 = arith.constant 0 : i32
        %dma_start3A_34 = tpu.memref_slice %arg11[%mul3A_29, %dma_start3A_33] : memref<10000x80xf32, #tpu.memory_space<vmem_shared>> -> memref<624x80xf32, #tpu.memory_space<vmem_shared>>
        tpu.enqueue_dma source(%dma_start3A_34 : memref<624x80xf32, #tpu.memory_space<vmem_shared>>) target(%dma_start3A_32 : memref<624x80xf32, #tpu.memory_space<hbm>>) target_semaphore(%run_scoped3A : memref<!tpu.dma_semaphore, #tpu.memory_space<semaphore_mem>>)
        %dma_wait3A = arith.constant 0 : i32
        %dma_wait3A_35 = tpu.memref_slice %arg6[%arg0, %mul3A_29, %dma_wait3A] : memref<2x10000x80xf32, #tpu.memory_space<hbm>> -> memref<1x624x80xf32, #tpu.memory_space<hbm>>
        %dma_wait3A_36 = tpu.memref_squeeze %dma_wait3A_35 : memref<1x624x80xf32, #tpu.memory_space<hbm>> -> memref<624x80xf32, #tpu.memory_space<hbm>>
        %dma_wait3A_37 = arith.constant 0 : i32
        %dma_wait3A_38 = tpu.memref_slice %arg11[%mul3A_29, %dma_wait3A_37] : memref<10000x80xf32, #tpu.memory_space<vmem_shared>> -> memref<624x80xf32, #tpu.memory_space<vmem_shared>>
        tpu.wait_dma2 semaphore(%run_scoped3A : memref<!tpu.dma_semaphore, #tpu.memory_space<semaphore_mem>>) src(%dma_wait3A_38 : memref<624x80xf32, #tpu.memory_space<vmem_shared>>) dst(%dma_wait3A_36 : memref<624x80xf32, #tpu.memory_space<hbm>>)
        tpu.yield
      }) : () -> ()
    } else {
    }
    %eq3A_23 = arith.constant 15 : i32
    %eq3A_24 = arith.cmpi eq, %arg1, %eq3A_23 : i32
    %convert_element_type3A_25 = arith.extui %eq3A_24 : i1 to i32
    %cond3A_26 = arith.constant 0 : i32
    %cond3A_27 = arith.cmpi ne, %convert_element_type3A_25, %cond3A_26 : i32
    scf.if %cond3A_27 {
      "tpu.region"() ({
        %run_scoped3A = tpu.sem_alloc : memref<!tpu.dma_semaphore, #tpu.memory_space<semaphore_mem>>
        %dma_start3A_28 = arith.constant 9360 : i32
        %dma_start3A_29 = arith.constant 0 : i32
        %dma_start3A_30 = tpu.memref_slice %arg6[%arg0, %dma_start3A_28, %dma_start3A_29] : memref<2x10000x80xf32, #tpu.memory_space<hbm>> -> memref<1x640x80xf32, #tpu.memory_space<hbm>>
        %dma_start3A_31 = tpu.memref_squeeze %dma_start3A_30 : memref<1x640x80xf32, #tpu.memory_space<hbm>> -> memref<640x80xf32, #tpu.memory_space<hbm>>
        %dma_start3A_32 = arith.constant 9360 : i32
        %dma_start3A_33 = arith.constant 0 : i32
        %dma_start3A_34 = tpu.memref_slice %arg11[%dma_start3A_32, %dma_start3A_33] : memref<10000x80xf32, #tpu.memory_space<vmem_shared>> -> memref<640x80xf32, #tpu.memory_space<vmem_shared>>
        tpu.enqueue_dma source(%dma_start3A_34 : memref<640x80xf32, #tpu.memory_space<vmem_shared>>) target(%dma_start3A_31 : memref<640x80xf32, #tpu.memory_space<hbm>>) target_semaphore(%run_scoped3A : memref<!tpu.dma_semaphore, #tpu.memory_space<semaphore_mem>>)
        %dma_wait3A = arith.constant 9360 : i32
        %dma_wait3A_35 = arith.constant 0 : i32
        %dma_wait3A_36 = tpu.memref_slice %arg6[%arg0, %dma_wait3A, %dma_wait3A_35] : memref<2x10000x80xf32, #tpu.memory_space<hbm>> -> memref<1x640x80xf32, #tpu.memory_space<hbm>>
        %dma_wait3A_37 = tpu.memref_squeeze %dma_wait3A_36 : memref<1x640x80xf32, #tpu.memory_space<hbm>> -> memref<640x80xf32, #tpu.memory_space<hbm>>
        %dma_wait3A_38 = arith.constant 9360 : i32
        %dma_wait3A_39 = arith.constant 0 : i32
        %dma_wait3A_40 = tpu.memref_slice %arg11[%dma_wait3A_38, %dma_wait3A_39] : memref<10000x80xf32, #tpu.memory_space<vmem_shared>> -> memref<640x80xf32, #tpu.memory_space<vmem_shared>>
        tpu.wait_dma2 semaphore(%run_scoped3A : memref<!tpu.dma_semaphore, #tpu.memory_space<semaphore_mem>>) src(%dma_wait3A_40 : memref<640x80xf32, #tpu.memory_space<vmem_shared>>) dst(%dma_wait3A_37 : memref<640x80xf32, #tpu.memory_space<hbm>>)
        tpu.yield
      }) : () -> ()
    } else {
    }
    return
  }
}

module attributes {stable_mosaic.version = 14 : i64} {
  func.func @body(%arg0: i32, %arg1: memref<1000x128xf32, #tpu.memory_space<vmem>>, %arg2: memref<128x80xf32, #tpu.memory_space<vmem>>, %arg3: memref<1000x80xf32, #tpu.memory_space<vmem>>) attributes {dimension_semantics = [#tpu.dimension_semantics<arbitrary>], iteration_bounds = array<i64: 10>, scalar_prefetch = 0 : i64, scratch_operands = 0 : i64, tpu.core_type = #tpu.core_type<tc>, window_params = [{transform_indices = @transform_0, window_bounds = array<i64: 1000, 128>}, {pipeline_mode = #tpu.pipeline_mode<synchronous>, transform_indices = @transform_1, window_bounds = array<i64: 128, 80>}, {transform_indices = @transform_2, window_bounds = array<i64: 1000, 80>}]} {
    %get3A = arith.constant 0 : index
    %get3A_0 = arith.constant 0 : index
    %get3A_1 = vector.load %arg1[%get3A, %get3A_0] : memref<1000x128xf32, #tpu.memory_space<vmem>>, vector<1000x128xf32>
    %get3A_2 = arith.constant 0 : index
    %get3A_3 = arith.constant 0 : index
    %get3A_4 = vector.load %arg2[%get3A_2, %get3A_3] : memref<128x80xf32, #tpu.memory_space<vmem>>, vector<128x80xf32>
    %dot_general3A = arith.constant dense<0.000000e+00> : vector<1000x80xf32>
    %dot_general3A_5 = tpu.matmul %get3A_1, %get3A_4, %dot_general3A {dimension_numbers = #tpu.dot_dimension_numbers<[1], [0], [0], [1], [0, 0, 1, 1], [], []>, precision = #tpu.contract_precision<fp32>, transpose_lhs_hint = false} : vector<1000x128xf32>, vector<128x80xf32>, vector<1000x80xf32> -> vector<1000x80xf32>
    %swap3A = arith.constant 0 : index
    %swap3A_6 = arith.constant 0 : index
    %swap3A_7 = vector.load %arg3[%swap3A, %swap3A_6] : memref<1000x80xf32, #tpu.memory_space<vmem>>, vector<1000x80xf32>
    tpu.vector_store %arg3[%swap3A, %swap3A_6], %dot_general3A_5 {strides = array<i32>} : memref<1000x80xf32, #tpu.memory_space<vmem>>, vector<1000x80xf32>,
    return
  }
  func.func @transform_0(%arg0: i32) -> (i32, i32) {
    %c0_i32 = arith.constant 0 : i32
    %c0_i32_0 = arith.constant 0 : i32
    return %arg0, %c0_i32 : i32, i32
  }
  func.func @transform_1(%arg0: i32) -> (i32, i32) {
    %c0_i32 = arith.constant 0 : i32
    %c0_i32_0 = arith.constant 0 : i32
    %c0_i32_1 = arith.constant 0 : i32
    return %c0_i32, %c0_i32_0 : i32, i32
  }
  func.func @transform_2(%arg0: i32) -> (i32, i32) {
    %c0_i32 = arith.constant 0 : i32
    %c0_i32_0 = arith.constant 0 : i32
    return %arg0, %c0_i32 : i32, i32
  }
}

module attributes {stable_mosaic.version = 14 : i64} {
  func.func @body(%arg0: i32, %arg1: memref<2x1000x16xf32, #tpu.memory_space<vmem>>, %arg2: memref<1000x80xf32, #tpu.memory_space<vmem>>, %arg3: memref<1000x80xf32, #tpu.memory_space<vmem>>, %arg4: memref<1000x1xf32, #tpu.memory_space<vmem>>) attributes {dimension_semantics = [#tpu.dimension_semantics<arbitrary>], iteration_bounds = array<i64: 10>, scalar_prefetch = 0 : i64, scratch_operands = 0 : i64, tpu.core_type = #tpu.core_type<tc>, window_params = [{transform_indices = @transform_0, window_bounds = array<i64: 2, 1000, 16>}, {transform_indices = @transform_1, window_bounds = array<i64: 1000, 80>}, {transform_indices = @transform_2, window_bounds = array<i64: 1000, 80>}, {transform_indices = @transform_3, window_bounds = array<i64: 1000, 1>}]} {
    %get3A = arith.constant 0 : index
    %get3A_0 = arith.constant 0 : index
    %get3A_1 = arith.constant 0 : index
    %get3A_2 = vector.load %arg1[%get3A, %get3A_0, %get3A_1] : memref<2x1000x16xf32, #tpu.memory_space<vmem>>, vector<1x1000x1xf32>
    %get3A_3 = vector.shape_cast %get3A_2 : vector<1x1000x1xf32> to vector<1000x1xf32>
    %get3A_4 = arith.constant 1 : index
    %get3A_5 = arith.constant 0 : index
    %get3A_6 = arith.constant 0 : index
    %get3A_7 = vector.load %arg1[%get3A_4, %get3A_5, %get3A_6] : memref<2x1000x16xf32, #tpu.memory_space<vmem>>, vector<1x1000x1xf32>
    %get3A_8 = vector.shape_cast %get3A_7 : vector<1x1000x1xf32> to vector<1000x1xf32>
    %add3A = arith.addf %get3A_3, %get3A_8 : vector<1000x1xf32>
    %add3A_9 = arith.constant 1.000000e+00 : f32
    %add3A_10 = vector.broadcast %add3A_9 : f32 to vector<1000x1xf32>
    %add3A_11 = arith.addf %add3A, %add3A_10 : vector<1000x1xf32>
    %rsqrt3A = math.rsqrt %add3A_11 : vector<1000x1xf32>
    %get3A_12 = arith.constant 0 : index
    %get3A_13 = arith.constant 0 : index
    %get3A_14 = vector.load %arg2[%get3A_12, %get3A_13] : memref<1000x80xf32, #tpu.memory_space<vmem>>, vector<1000x80xf32>
    %mul3A = vector.broadcast %rsqrt3A : vector<1000x1xf32> to vector<1000x80xf32>
    %mul3A_15 = arith.mulf %get3A_14, %mul3A : vector<1000x80xf32>
    %swap3A = arith.constant 0 : index
    %swap3A_16 = arith.constant 0 : index
    %swap3A_17 = vector.load %arg3[%swap3A, %swap3A_16] : memref<1000x80xf32, #tpu.memory_space<vmem>>, vector<1000x80xf32>
    tpu.vector_store %arg3[%swap3A, %swap3A_16], %mul3A_15 {strides = array<i32>} : memref<1000x80xf32, #tpu.memory_space<vmem>>, vector<1000x80xf32>,
    %swap3A_18 = arith.constant 0 : index
    %swap3A_19 = arith.constant 0 : index
    %swap3A_20 = vector.load %arg4[%swap3A_18, %swap3A_19] : memref<1000x1xf32, #tpu.memory_space<vmem>>, vector<1000x1xf32>
    tpu.vector_store %arg4[%swap3A_18, %swap3A_19], %rsqrt3A {strides = array<i32>} : memref<1000x1xf32, #tpu.memory_space<vmem>>, vector<1000x1xf32>,
    return
  }
  func.func @transform_0(%arg0: i32) -> (i32, i32, i32) {
    %c0_i32 = arith.constant 0 : i32
    %c0_i32_0 = arith.constant 0 : i32
    %c0_i32_1 = arith.constant 0 : i32
    return %c0_i32, %arg0, %c0_i32_0 : i32, i32, i32
  }
  func.func @transform_1(%arg0: i32) -> (i32, i32) {
    %c0_i32 = arith.constant 0 : i32
    %c0_i32_0 = arith.constant 0 : i32
    return %arg0, %c0_i32 : i32, i32
  }
  func.func @transform_2(%arg0: i32) -> (i32, i32) {
    %c0_i32 = arith.constant 0 : i32
    %c0_i32_0 = arith.constant 0 : i32
    return %arg0, %c0_i32 : i32, i32
  }
  func.func @transform_3(%arg0: i32) -> (i32, i32) {
    %c0_i32 = arith.constant 0 : i32
    %c0_i32_0 = arith.constant 0 : i32
    return %arg0, %c0_i32 : i32, i32
  }
}

module attributes {stable_mosaic.version = 14 : i64} {
  func.func @body(%arg0: i32, %arg1: memref<2x1000x80xf32, #tpu.memory_space<vmem>>, %arg2: memref<1000x80xf32, #tpu.memory_space<vmem>>, %arg3: memref<1000x1xf32, #tpu.memory_space<vmem>>, %arg4: memref<1x80xf32, #tpu.memory_space<vmem>>, %arg5: memref<80x80xf32, #tpu.memory_space<vmem>>, %arg6: memref<1000x80xf32, #tpu.memory_space<vmem>>) attributes {dimension_semantics = [#tpu.dimension_semantics<arbitrary>], iteration_bounds = array<i64: 10>, scalar_prefetch = 0 : i64, scratch_operands = 0 : i64, tpu.core_type = #tpu.core_type<tc>, window_params = [{transform_indices = @transform_0, window_bounds = array<i64: 2, 1000, 80>}, {transform_indices = @transform_1, window_bounds = array<i64: 1000, 80>}, {transform_indices = @transform_2, window_bounds = array<i64: 1000, 1>}, {pipeline_mode = #tpu.pipeline_mode<synchronous>, transform_indices = @transform_3, window_bounds = array<i64: 1, 80>}, {pipeline_mode = #tpu.pipeline_mode<synchronous>, transform_indices = @transform_4, window_bounds = array<i64: 80, 80>}, {transform_indices = @transform_5, window_bounds = array<i64: 1000, 80>}]} {
    %get3A = arith.constant 0 : index
    %get3A_0 = arith.constant 0 : index
    %get3A_1 = arith.constant 0 : index
    %get3A_2 = vector.load %arg1[%get3A, %get3A_0, %get3A_1] : memref<2x1000x80xf32, #tpu.memory_space<vmem>>, vector<1x1000x80xf32>
    %get3A_3 = vector.shape_cast %get3A_2 : vector<1x1000x80xf32> to vector<1000x80xf32>
    %get3A_4 = arith.constant 1 : index
    %get3A_5 = arith.constant 0 : index
    %get3A_6 = arith.constant 0 : index
    %get3A_7 = vector.load %arg1[%get3A_4, %get3A_5, %get3A_6] : memref<2x1000x80xf32, #tpu.memory_space<vmem>>, vector<1x1000x80xf32>
    %get3A_8 = vector.shape_cast %get3A_7 : vector<1x1000x80xf32> to vector<1000x80xf32>
    %add3A = arith.addf %get3A_3, %get3A_8 : vector<1000x80xf32>
    %get3A_9 = arith.constant 0 : index
    %get3A_10 = arith.constant 0 : index
    %get3A_11 = vector.load %arg2[%get3A_9, %get3A_10] : memref<1000x80xf32, #tpu.memory_space<vmem>>, vector<1000x80xf32>
    %add3A_12 = arith.addf %add3A, %get3A_11 : vector<1000x80xf32>
    %get3A_13 = arith.constant 0 : index
    %get3A_14 = arith.constant 0 : index
    %get3A_15 = vector.load %arg3[%get3A_13, %get3A_14] : memref<1000x1xf32, #tpu.memory_space<vmem>>, vector<1000x1xf32>
    %mul3A = vector.broadcast %get3A_15 : vector<1000x1xf32> to vector<1000x80xf32>
    %mul3A_16 = arith.mulf %add3A_12, %mul3A : vector<1000x80xf32>
    %get3A_17 = arith.constant 0 : index
    %get3A_18 = arith.constant 0 : index
    %get3A_19 = vector.load %arg4[%get3A_17, %get3A_18] : memref<1x80xf32, #tpu.memory_space<vmem>>, vector<1x80xf32>
    %add3A_20 = vector.broadcast %get3A_19 : vector<1x80xf32> to vector<1000x80xf32>
    %add3A_21 = arith.addf %mul3A_16, %add3A_20 : vector<1000x80xf32>
    %max3A = arith.constant 0.000000e+00 : f32
    %max3A_22 = vector.broadcast %max3A : f32 to vector<1000x80xf32>
    %max3A_23 = arith.maximumf %add3A_21, %max3A_22 : vector<1000x80xf32>
    %get3A_24 = arith.constant 0 : index
    %get3A_25 = arith.constant 0 : index
    %get3A_26 = vector.load %arg5[%get3A_24, %get3A_25] : memref<80x80xf32, #tpu.memory_space<vmem>>, vector<80x80xf32>
    %dot_general3A = arith.constant dense<0.000000e+00> : vector<1000x80xf32>
    %dot_general3A_27 = tpu.matmul %max3A_23, %get3A_26, %dot_general3A {dimension_numbers = #tpu.dot_dimension_numbers<[1], [0], [0], [1], [0, 0, 1, 1], [], []>, precision = #tpu.contract_precision<fp32>, transpose_lhs_hint = false} : vector<1000x80xf32>, vector<80x80xf32>, vector<1000x80xf32> -> vector<1000x80xf32>
    %get3A_28 = arith.constant 0 : index
    %get3A_29 = arith.constant 0 : index
    %get3A_30 = vector.load %arg3[%get3A_28, %get3A_29] : memref<1000x1xf32, #tpu.memory_space<vmem>>, vector<1000x1xf32>
    %mul3A_31 = vector.broadcast %get3A_30 : vector<1000x1xf32> to vector<1000x80xf32>
    %mul3A_32 = arith.mulf %dot_general3A_27, %mul3A_31 : vector<1000x80xf32>
    %swap3A = arith.constant 0 : index
    %swap3A_33 = arith.constant 0 : index
    %swap3A_34 = vector.load %arg6[%swap3A, %swap3A_33] : memref<1000x80xf32, #tpu.memory_space<vmem>>, vector<1000x80xf32>
    tpu.vector_store %arg6[%swap3A, %swap3A_33], %mul3A_32 {strides = array<i32>} : memref<1000x80xf32, #tpu.memory_space<vmem>>, vector<1000x80xf32>,
    return
  }
  func.func @transform_0(%arg0: i32) -> (i32, i32, i32) {
    %c0_i32 = arith.constant 0 : i32
    %c0_i32_0 = arith.constant 0 : i32
    %c0_i32_1 = arith.constant 0 : i32
    return %c0_i32, %arg0, %c0_i32_0 : i32, i32, i32
  }
  func.func @transform_1(%arg0: i32) -> (i32, i32) {
    %c0_i32 = arith.constant 0 : i32
    %c0_i32_0 = arith.constant 0 : i32
    return %arg0, %c0_i32 : i32, i32
  }
  func.func @transform_2(%arg0: i32) -> (i32, i32) {
    %c0_i32 = arith.constant 0 : i32
    %c0_i32_0 = arith.constant 0 : i32
    return %arg0, %c0_i32 : i32, i32
  }
  func.func @transform_3(%arg0: i32) -> (i32, i32) {
    %c0_i32 = arith.constant 0 : i32
    %c0_i32_0 = arith.constant 0 : i32
    %c0_i32_1 = arith.constant 0 : i32
    return %c0_i32, %c0_i32_0 : i32, i32
  }
  func.func @transform_4(%arg0: i32) -> (i32, i32) {
    %c0_i32 = arith.constant 0 : i32
    %c0_i32_0 = arith.constant 0 : i32
    %c0_i32_1 = arith.constant 0 : i32
    return %c0_i32, %c0_i32_0 : i32, i32
  }
  func.func @transform_5(%arg0: i32) -> (i32, i32) {
    %c0_i32 = arith.constant 0 : i32
    %c0_i32_0 = arith.constant 0 : i32
    return %arg0, %c0_i32 : i32, i32
  }
}

module attributes {stable_mosaic.version = 14 : i64} {
  func.func @body(%arg0: i32, %arg1: memref<2x1000x80xf32, #tpu.memory_space<vmem>>, %arg2: memref<1000x80xf32, #tpu.memory_space<vmem>>, %arg3: memref<1000x1xf32, #tpu.memory_space<vmem>>, %arg4: memref<1x80xf32, #tpu.memory_space<vmem>>, %arg5: memref<80x7xf32, #tpu.memory_space<vmem>>, %arg6: memref<1x7xf32, #tpu.memory_space<vmem>>, %arg7: memref<1000x7xf32, #tpu.memory_space<vmem>>) attributes {dimension_semantics = [#tpu.dimension_semantics<arbitrary>], iteration_bounds = array<i64: 10>, scalar_prefetch = 0 : i64, scratch_operands = 0 : i64, tpu.core_type = #tpu.core_type<tc>, window_params = [{transform_indices = @transform_0, window_bounds = array<i64: 2, 1000, 80>}, {transform_indices = @transform_1, window_bounds = array<i64: 1000, 80>}, {transform_indices = @transform_2, window_bounds = array<i64: 1000, 1>}, {pipeline_mode = #tpu.pipeline_mode<synchronous>, transform_indices = @transform_3, window_bounds = array<i64: 1, 80>}, {pipeline_mode = #tpu.pipeline_mode<synchronous>, transform_indices = @transform_4, window_bounds = array<i64: 80, 7>}, {pipeline_mode = #tpu.pipeline_mode<synchronous>, transform_indices = @transform_5, window_bounds = array<i64: 1, 7>}, {transform_indices = @transform_6, window_bounds = array<i64: 1000, 7>}]} {
    %get3A = arith.constant 0 : index
    %get3A_0 = arith.constant 0 : index
    %get3A_1 = arith.constant 0 : index
    %get3A_2 = vector.load %arg1[%get3A, %get3A_0, %get3A_1] : memref<2x1000x80xf32, #tpu.memory_space<vmem>>, vector<1x1000x80xf32>
    %get3A_3 = vector.shape_cast %get3A_2 : vector<1x1000x80xf32> to vector<1000x80xf32>
    %get3A_4 = arith.constant 1 : index
    %get3A_5 = arith.constant 0 : index
    %get3A_6 = arith.constant 0 : index
    %get3A_7 = vector.load %arg1[%get3A_4, %get3A_5, %get3A_6] : memref<2x1000x80xf32, #tpu.memory_space<vmem>>, vector<1x1000x80xf32>
    %get3A_8 = vector.shape_cast %get3A_7 : vector<1x1000x80xf32> to vector<1000x80xf32>
    %add3A = arith.addf %get3A_3, %get3A_8 : vector<1000x80xf32>
    %get3A_9 = arith.constant 0 : index
    %get3A_10 = arith.constant 0 : index
    %get3A_11 = vector.load %arg2[%get3A_9, %get3A_10] : memref<1000x80xf32, #tpu.memory_space<vmem>>, vector<1000x80xf32>
    %add3A_12 = arith.addf %add3A, %get3A_11 : vector<1000x80xf32>
    %get3A_13 = arith.constant 0 : index
    %get3A_14 = arith.constant 0 : index
    %get3A_15 = vector.load %arg3[%get3A_13, %get3A_14] : memref<1000x1xf32, #tpu.memory_space<vmem>>, vector<1000x1xf32>
    %mul3A = vector.broadcast %get3A_15 : vector<1000x1xf32> to vector<1000x80xf32>
    %mul3A_16 = arith.mulf %add3A_12, %mul3A : vector<1000x80xf32>
    %get3A_17 = arith.constant 0 : index
    %get3A_18 = arith.constant 0 : index
    %get3A_19 = vector.load %arg4[%get3A_17, %get3A_18] : memref<1x80xf32, #tpu.memory_space<vmem>>, vector<1x80xf32>
    %add3A_20 = vector.broadcast %get3A_19 : vector<1x80xf32> to vector<1000x80xf32>
    %add3A_21 = arith.addf %mul3A_16, %add3A_20 : vector<1000x80xf32>
    %max3A = arith.constant 0.000000e+00 : f32
    %max3A_22 = vector.broadcast %max3A : f32 to vector<1000x80xf32>
    %max3A_23 = arith.maximumf %add3A_21, %max3A_22 : vector<1000x80xf32>
    %get3A_24 = arith.constant 0 : index
    %get3A_25 = arith.constant 0 : index
    %get3A_26 = vector.load %arg5[%get3A_24, %get3A_25] : memref<80x7xf32, #tpu.memory_space<vmem>>, vector<80x7xf32>
    %dot_general3A = arith.constant dense<0.000000e+00> : vector<1000x7xf32>
    %dot_general3A_27 = tpu.matmul %max3A_23, %get3A_26, %dot_general3A {dimension_numbers = #tpu.dot_dimension_numbers<[1], [0], [0], [1], [0, 0, 1, 1], [], []>, precision = #tpu.contract_precision<fp32>, transpose_lhs_hint = false} : vector<1000x80xf32>, vector<80x7xf32>, vector<1000x7xf32> -> vector<1000x7xf32>
    %get3A_28 = arith.constant 0 : index
    %get3A_29 = arith.constant 0 : index
    %get3A_30 = vector.load %arg6[%get3A_28, %get3A_29] : memref<1x7xf32, #tpu.memory_space<vmem>>, vector<1x7xf32>
    %add3A_31 = vector.broadcast %get3A_30 : vector<1x7xf32> to vector<1000x7xf32>
    %add3A_32 = arith.addf %dot_general3A_27, %add3A_31 : vector<1000x7xf32>
    %reduce_max3A = arith.constant dense<0xFF800000> : vector<1000xf32>
    %reduce_max3A_33 = vector.multi_reduction <maximumf>, %add3A_32, %reduce_max3A [1] : vector<1000x7xf32> to vector<1000xf32>
    %broadcast_in_dim3A = vector.shape_cast %reduce_max3A_33 : vector<1000xf32> to vector<1000x1xf32>
    %sub3A = vector.broadcast %broadcast_in_dim3A : vector<1000x1xf32> to vector<1000x7xf32>
    %sub3A_34 = arith.subf %add3A_32, %sub3A : vector<1000x7xf32>
    %exp3A = math.exp %sub3A_34 : vector<1000x7xf32>
    %reduce_sum3A = arith.constant dense<0.000000e+00> : vector<1000xf32>
    %reduce_sum3A_35 = vector.multi_reduction <add>, %exp3A, %reduce_sum3A [1] : vector<1000x7xf32> to vector<1000xf32>
    %broadcast_in_dim3A_36 = vector.shape_cast %reduce_sum3A_35 : vector<1000xf32> to vector<1000x1xf32>
    %log3A = math.log %broadcast_in_dim3A_36 : vector<1000x1xf32>
    %sub3A_37 = vector.broadcast %log3A : vector<1000x1xf32> to vector<1000x7xf32>
    %sub3A_38 = arith.subf %sub3A_34, %sub3A_37 : vector<1000x7xf32>
    %swap3A = arith.constant 0 : index
    %swap3A_39 = arith.constant 0 : index
    %swap3A_40 = vector.load %arg7[%swap3A, %swap3A_39] : memref<1000x7xf32, #tpu.memory_space<vmem>>, vector<1000x7xf32>
    tpu.vector_store %arg7[%swap3A, %swap3A_39], %sub3A_38 {strides = array<i32>} : memref<1000x7xf32, #tpu.memory_space<vmem>>, vector<1000x7xf32>,
    return
  }
  func.func @transform_0(%arg0: i32) -> (i32, i32, i32) {
    %c0_i32 = arith.constant 0 : i32
    %c0_i32_0 = arith.constant 0 : i32
    %c0_i32_1 = arith.constant 0 : i32
    return %c0_i32, %arg0, %c0_i32_0 : i32, i32, i32
  }
  func.func @transform_1(%arg0: i32) -> (i32, i32) {
    %c0_i32 = arith.constant 0 : i32
    %c0_i32_0 = arith.constant 0 : i32
    return %arg0, %c0_i32 : i32, i32
  }
  func.func @transform_2(%arg0: i32) -> (i32, i32) {
    %c0_i32 = arith.constant 0 : i32
    %c0_i32_0 = arith.constant 0 : i32
    return %arg0, %c0_i32 : i32, i32
  }
  func.func @transform_3(%arg0: i32) -> (i32, i32) {
    %c0_i32 = arith.constant 0 : i32
    %c0_i32_0 = arith.constant 0 : i32
    %c0_i32_1 = arith.constant 0 : i32
    return %c0_i32, %c0_i32_0 : i32, i32
  }
  func.func @transform_4(%arg0: i32) -> (i32, i32) {
    %c0_i32 = arith.constant 0 : i32
    %c0_i32_0 = arith.constant 0 : i32
    %c0_i32_1 = arith.constant 0 : i32
    return %c0_i32, %c0_i32_0 : i32, i32
  }
  func.func @transform_5(%arg0: i32) -> (i32, i32) {
    %c0_i32 = arith.constant 0 : i32
    %c0_i32_0 = arith.constant 0 : i32
    %c0_i32_1 = arith.constant 0 : i32
    return %c0_i32, %c0_i32_0 : i32, i32
  }
  func.func @transform_6(%arg0: i32) -> (i32, i32) {
    %c0_i32 = arith.constant 0 : i32
    %c0_i32_0 = arith.constant 0 : i32
    return %arg0, %c0_i32 : i32, i32
  }
}

</mosaic_0001>

<sc_bundles>
// kernel: kernel.12.cloned.1.call-start
scs
__scs_entry_jumppad:
0x0: {  	(pc) =	sbr.rel $0x88, $3  }
0x1: {  	(tag) =	ssettag $0x0;
	lr =	simm.s32 $0x1  }
0x2: {  	[smem:$0x3F99] =	sst lr;
	_ =	strace $0xD0000000  }
0x3: {  	_ = 	snop  }
0x4: {  	_ = 	snop  }
0x5: {  	_ = 	snop  }
0x6: {  	_ = 	snop  }
0x7: {  	_ = 	snop  }
__scs_overlays_trampoline_lowered:
0x8: {  	[smem:$0x3FA8] =	sst s0  }
0x9: {  	[smem:$0x3FA9] =	sst s1  }
0xa: {  	[smem:$0x3FAA] =	sst s2  }
0xb: {  	[smem:$0x3FAB] =	sst s3  }
0xc: {  	[smem:$0x3FAC] =	sst s4  }
0xd: {  	[smem:$0x3FAD] =	sst s5  }
0xe: {  	[smem:$0x3FAE] =	sst s6  }
0xf: {  	[smem:$0x3FAF] =	sst s7  }
0x10: {  	[smem:$0x3FB0] =	sst s8  }
0x11: {  	[smem:$0x3FB1] =	sst s9;
	s0 =	simm.s32 @!p0 $0x0  }
0x12: {  	s1 =	sld [smem:$0x3F97];
	s0 =	simm.s32 @p0 $0x1  }
0x13: {  	[smem:$0x3FB2] =	sst s0;
	s0 =	simm.s32 @!p1 $0x0  }
0x14: {  	s2 =	sld [smem:$0x3F96];
	s0 =	simm.s32 @p1 $0x1  }
0x15: {  	[smem:$0x3FB3] =	sst s0;
	s0 =	simm.s32 @!p2 $0x0  }
0x16: {  	s3 =	sld [smem:$0x3FDB];
	s0 =	simm.s32 @p2 $0x1  }
0x17: {  	s4 =	simm.s32 $0x1BF5;
	[smem:$0x3FB5] =	sst s0  }
0x18: {  	s0 =	sld [smem:$0x3F98];
	_ =	swait.ge [sflag:s4], $0x0  }
0x19: {  	s7 =	sld [smem:$0x3F99]  }
0x1a: {  	s8 =	sadd.s32 $0xFFFFE003, lr  }
0x1b: {  	s9 =	sadd.s32 $0xFFFFFEF7, lr;
	s5 =	simm.s32 $0xFFFFFFFF;
	p2 =	slt.u32 s8, $0xFFFFF086  }
0x1c: {  	p1 =	slt.u32 s9, $0xF7A;
	s5 =	simm.s32 @!p2 $0x0  }
0x1d: {  	s5 =	simm.s32 @p1 $0x1;
	p0 =	seq.s32 s7, s2  }
0x1e: {  	s7 =	smul.u32 @!p0 $0xF7A, s2;
	p2 =	seq.s32 @!p0 s5, $0x0  }
0x1f: {  	s9 =	smul.u32 $0xF7A, s1;
	s8 =	simm.s32 @!p0 $0x1BF5;
	p2 =	por !p2, p0  }
0x20: {  	[sflag:s8] =	ssyncset.s32 @!p0 $0xFFFFF086;
	s6 =	sadd.s32 @!p0 s3, s7;
	s7 =	simm.s32 @!p0 $0x108  }
0x21: {  	s3 =	sadd.s32 s3, s9;
	s6 =	sadd.s32 @!p0 $0x88, s6;
	s7 =	simm.s32 @p2 $0x1082  }
0x22: {  	[simem:s7], [sflag:s8] =	dma.local @!p0 [hbm:s6], $0xF7A  }
0x23: {  	s9 =	sor.u32 $0xD0000000, s2;
	s6 =	simm.s32 $0x108;
	_ =	swait.ge @!p0 [sflag:s8], $0x0  }
0x24: {  	s3 =	sadd.s32 $0x88, s3;
	s6 =	simm.s32 @!p1 $0x1082;
	[sflag:s4] =	ssyncset.s32 $0xFFFFF086  }
0x25: {  	[simem:s6], [sflag:s4] =	dma.local [hbm:s3], $0xF7A  }
0x26: {  	[smem:$0x3F99] =	sst s1;
	(tag) =	ssettag s2;
	_ =	strace s9  }
0x27: {  	s1 =	sld [smem:$0x3FA9]  }
0x28: {  	s2 =	sld [smem:$0x3FAA]  }
0x29: {  	s4 =	sld [smem:$0x3FAC]  }
0x2a: {  	p0 =	seq.s32 s5, $0x0;
	s5 =	sld [smem:$0x3FAD]  }
0x2b: {  	s6 =	sld [smem:$0x3FAE]  }
0x2c: {  	s7 =	sld [smem:$0x3FAF]  }
0x2d: {  	s3 =	simm.s32 $0x108;
	s8 =	sld [smem:$0x3FB0]  }
0x2e: {  	s3 =	simm.s32 @!p0 $0x1082;
	s9 =	sld [smem:$0x3FB1]  }
0x2f: {  	lr =	sadd.s32 s0, s3;
	s0 =	sld [smem:$0x3FA8]  }
0x30: {  	s3 =	sld [smem:$0x3FAB]  }
0x31: {  	[smem:$0x3FB4] =	sst s10  }
0x32: {  	s10 =	sld [smem:$0x3FB2];
	_ =	sdelay $0x3  }
0x33: {  	p0 =	seq.s32 s10, $0x1;
	s10 =	sld [smem:$0x3FB4];
	_ =	sdelay $0x3  }
0x34: {  	[smem:$0x3FB4] =	sst s10  }
0x35: {  	s10 =	sld [smem:$0x3FB3];
	_ =	sdelay $0x3  }
0x36: {  	p1 =	seq.s32 s10, $0x1;
	s10 =	sld [smem:$0x3FB4];
	_ =	sdelay $0x3  }
0x37: {  	[smem:$0x3FB4] =	sst s10  }
0x38: {  	s10 =	sld [smem:$0x3FB5]  }
0x39: {  	_ = 	snop;
	(pc) =	sbr.ind lr, $3  }
0x3a: {  	_ = 	snop  }
0x3b: {  	_ = 	snop  }
0x3c: {  	p2 =	seq.s32 s10, $0x1;
	s10 =	sld [smem:$0x3FB4]  }
0x3d: {  	_ =	shalt  }
0x3e: {  	_ =	shalt  }
0x3f: {  	_ =	shalt  }
0x40: {  	_ =	shalt  }
0x41: {  	_ =	shalt  }
0x42: {  	_ =	shalt  }
0x43: {  	_ =	shalt  }
0x44: {  	_ =	shalt  }
0x45: {  	_ =	shalt  }
0x46: {  	_ =	shalt  }
0x47: {  	_ =	shalt  }
0x48: {  	_ =	shalt  }
0x49: {  	_ =	shalt  }
0x4a: {  	_ =	shalt  }
0x4b: {  	_ =	shalt  }
0x4c: {  	_ =	shalt  }
0x4d: {  	_ =	shalt  }
0x4e: {  	_ =	shalt  }
0x4f: {  	_ =	shalt  }
0x50: {  	_ =	shalt  }
0x51: {  	_ =	shalt  }
0x52: {  	_ =	shalt  }
0x53: {  	_ =	shalt  }
0x54: {  	_ =	shalt  }
0x55: {  	_ =	shalt  }
0x56: {  	_ =	shalt  }
0x57: {  	_ =	shalt  }
0x58: {  	_ =	shalt  }
0x59: {  	_ =	shalt  }
0x5a: {  	_ =	shalt  }
0x5b: {  	_ =	shalt  }
0x5c: {  	_ =	shalt  }
0x5d: {  	_ =	shalt  }
0x5e: {  	_ =	shalt  }
0x5f: {  	_ =	shalt  }
0x60: {  	_ =	shalt  }
0x61: {  	_ =	shalt  }
0x62: {  	_ =	shalt  }
0x63: {  	_ =	shalt  }
0x64: {  	_ =	shalt  }
0x65: {  	_ =	shalt  }
0x66: {  	_ =	shalt  }
0x67: {  	_ =	shalt  }
0x68: {  	_ =	shalt  }
0x69: {  	_ =	shalt  }
0x6a: {  	_ =	shalt  }
0x6b: {  	_ =	shalt  }
0x6c: {  	_ =	shalt  }
0x6d: {  	_ =	shalt  }
0x6e: {  	_ =	shalt  }
0x6f: {  	_ =	shalt  }
0x70: {  	_ =	shalt  }
0x71: {  	_ =	shalt  }
0x72: {  	_ =	shalt  }
0x73: {  	_ =	shalt  }
0x74: {  	_ =	shalt  }
0x75: {  	_ =	shalt  }
0x76: {  	_ =	shalt  }
0x77: {  	_ =	shalt  }
0x78: {  	_ =	shalt  }
0x79: {  	_ =	shalt  }
0x7a: {  	_ =	shalt  }
0x7b: {  	_ =	shalt  }
0x7c: {  	_ =	shalt  }
0x7d: {  	_ =	shalt  }
0x7e: {  	_ =	shalt  }
0x7f: {  	_ =	shalt  }
0x80: {  	_ =	shalt  }
0x81: {  	_ =	shalt  }
0x82: {  	_ =	shalt  }
0x83: {  	_ =	shalt  }
0x84: {  	_ =	shalt  }
0x85: {  	_ =	shalt  }
0x86: {  	_ =	shalt  }
0x87: {  	_ =	shalt  }
.Lfunc_end0:
.L_simem_size_0:
called_computation.1_lowered:
.L_overlay_start_0:
0x88: {  	s2 =	sld [smem:$0x3FD9]  }
0x89: {  	s3 =	sld [smem:$0x3FFE];
	_ =	sdelay $0x1  }
0x8a: {  	s1 =	srdreg.scid  }
0x8b: {  	s0 =	sand.u32 $0x1, s1  }
0x8c: {  	s16 =	sshll.u32 s0, $0xA;
	s2 =	sadd.s32 s3, s2  }
0x8d: {  	s2 =	sadd.s32 s2, s16  }
0x8e: {  	[smem:$0x3FC0] =	sst s2  }
0x8f: {  	_ = 	snop  }
0x90: {  	(tm) =	ssettm $0x1  }
0x91: {  	s17 =	sld [smem:$0x3FFB];
	_ =	sdelay $0x3  }
0x92: {  	_ =	strace s17  }
0x93: {  	s2 =	sld [smem:$0x3FFC];
	_ =	sdelay $0x3  }
0x94: {  	_ =	strace s2  }
0x95: {  	s2 =	sld [smem:$0x3FFD];
	_ =	sdelay $0x3  }
0x96: {  	_ =	strace s2  }
0x97: {  	_ =	strace $0x8FFFFFFF  }
0x98: {  	s18 =	sld [smem:$0x3FDB];
	_ =	sdelay $0x1  }
0x99: {  	s19 =	simm.s32 $_scs_section_size  }
0x9a: {  	s4 =	simm.s32 $_size__tile_overlayer_lowered;
	s5 =	simm.s32 $_tile_overlayer_lowered  }
0x9b: {  	s22 =	simm.s32 $0x1BFF;
	s21 =	sshll.u32 s5, $0x1;
	s2 =	sadd.s32 s19, s18  }
0x9c: {  	s6 =	simm.s32 $0x0;
	s20 =	sshll.u32 s4, $0x1;
	s4 =	sadd.s32 s21, s2  }
0x9d: {  	[timem:s6], [sflag:s22] =	dma.local [hbm:s4], s20  }
0x9e: {  	_ =	swait.ge [sflag:s22], s20  }
0x9f: {  	s3 =	ssub.s32 $0x0, s20;
	[sflag:s22] =	ssyncset.done $0x0  }
0xa0: {  	[sflag:s22] =	ssyncadd.s32 s3;
	_ =	sdelay $0x1  }
0xa1: {  	s23 =	simm.s32 $0x1B8B  }
0xa2: {  	_ =	swait.ge [sflag:s23], $0x1  }
0xa3: {  	[sflag:s23] =	ssyncset.done $0x0  }
0xa4: {  	s25 =	simm.s32 $0x1B8E;
	s24 =	sld [smem:$0x3FFE];
	[sflag:s23] =	ssyncadd.s32 $0xFFFFFFFF  }
0xa5: {  	s26 =	simm.s32 $execute0_lowered;
	[smem:$0x3FD2] =	sst s25  }
0xa6: {  	s4 =	sshll.u32 s26, $0x1;
	_ =	strace $0x80000049;
	[dreg:$0x1] =	wrdreg $0xFFFFFFFF  }
0xa7: {  	s28 =	simm.s32 $_size_execute0_lowered;
	s2 =	sadd.s32 s2, s4;
	[dreg:$0x0] =	wrdreg $0x0  }
0xa8: {  	s4 =	sshll.u32 s28, $0x1;
	[dreg:$0x2] =	wrdreg s2  }
0xa9: {  	[dreg:$0x3] =	wrdreg s4  }
0xaa: {  	[dreg:$0x4] =	wrdreg $0xC0  }
0xab: {  	_ =	task [dreg:s6], $0x5FFFF  }
0xac: {  	[dreg:$0x1] =	wrdreg $0xFFFFFFFF  }
0xad: {  	[dreg:$0x0] =	wrdreg $0x60  }
0xae: {  	[dreg:$0x2] =	wrdreg s24  }
0xaf: {  	[dreg:$0x3] =	wrdreg $0x67200  }
0xb0: {  	[dreg:$0x4] =	wrdreg $0x9  }
0xb1: {  	_ =	task.clear_ibuf [dreg:s6], $0x5FFFF;
	_ =	strace $0x90000049  }
0xb2: {  	s29 =	simm.s32 $0x9;
	_ =	strace $0x8000004B  }
0xb3: {  	_ =	swait.ge [sflag:s29], $0x1  }
0xb4: {  	[sflag:s29] =	ssyncadd.s32 $0xFFFFFFFF  }
0xb5: {  	_ =	strace $0x9000004B  }
0xb6: {  	_ =	sfence  }
0xb7: {  	s30 =	sld [smem:$0x0];
	_ =	sdelay $0x2  }
0xb8: {  	s31 =	sshll.u32 s1, $0xD;
	s1 =	sshrl.u32 s1, $0x2  }
0xb9: {  	s3 =	sand.u32 $0x4000, s31;
	s1 =	sadd.s32 s1, s30  }
0xba: {  	s0 =	sor.u32 s3, s0;
	s1 =	sshll.u32 s1, $0x11  }
0xbb: {  	s0 =	sor.u32 s1, s0  }
0xbc: {  	s0 =	sadd.s32 $0x8F2B, s0  }
0xbd: {  	[sflag:s0] =	ssyncadd.remote.s32 $0x1  }
0xbe: {  	_ =	sfence.sel $0xFFFF  }
0xbf: {  	[dreg:$0x0] =	wrdreg $0xFFFFFFFF;
	(pc) =	sbr.abs _section_cstart, $3  }
0xc0: {  	[dreg:$0x1] =	wrdreg $0xFFFFFFFF  }
0xc1: {  	_ =	task.clear_ibuf [dreg:s6], $0x2FFFF;
	_ =	strace $0x9FFFFFFF  }
0xc2: {  	(tm) =	ssettm $0x7FFFFFFF  }
0xc3: {  	_ =	shalt  }
tec
execute0_lowered:
.L_overlay_start_1:
0x0: {  	(tag) =	ssettag $0x1  }
0x1: {  	s8 =	rddreg [dreg:$0x0]  }
0x2: {  	s2 =	rddreg [dreg:$0x1];
	s3 =	srdreg.scid  }
0x3: {  	s1 =	stileid.u32;
	s0 =	rddreg [dreg:$0x2];
	s17 =	simm.s32 $0x28  }
0x4: {  	s18 =	simm.s32 $0x4E20;
	s19 =	simm.s32 $0x1;
	s20 =	simm.s32 $0x5AA0  }
0x5: {  	s21 =	simm.s32 $0x2;
	s22 =	simm.s32 $0x26E8;
	s23 =	simm.s32 $0x4DD0  }
0x6: {  	s24 =	simm.s32 $0x4DF8;
	s25 =	simm.s32 $0x0;
	s5 =	sand.u32 $0x1, s3  }
0x7: {  	s4 =	sshll.u32 s1, $0x1;
	s3 =	simm.s32 $0x0;
	s9 =	smul.u32 $0xC300, s1  }
0x8: {  	s11 =	sadd.s32 $0x46600, s8;
	s14 =	sadd.s32 $0xB6D00, s2;
	p0 =	seq.s32 s1, $0xF  }
0x9: {  	s4 =	sor.u32 s5, s4;
	[smem:$0x7FF] =	sst s3;
	s10 =	ssub.s32 $0x2, s5  }
0xa: {  	s13 =	smul.u32 $0xC3500, s5;
	s15 =	sshll.u32 @!p0 s1, $0x6;
	s14 =	sshrl.u32 @p0 s14, $0x3  }
0xb: {  	s6 =	smul.u32 $0x4E2, s4;
	_ =	strace $0x8000004A;
	s4 =	sadd.s32 $0x15600, s8  }
0xc: {  	s7 =	sshrl.u32 s9, $0x3;
	s12 =	sshrl.u32 s10, $0x1;
	s16 =	sadd.s32 s9, s2  }
0xd: {  	s15 =	sor.u32 @!p0 $0x1C03, s15;
	s7 =	sadd.s32 s7, s8;
	s12 =	ssub.s32 s10, s12  }
0xe: {  	s9 =	sadd.s32 s9, s13;
	s31 =	sshrl.u32 s13, $0x3;
	s13 =	simm.s32 $0x2710  }
0xf: {  	s16 =	sshrl.u32 @!p0 s16, $0x3;
	s6 =	sadd.s32 s6, s8;
	s7 =	sadd.s32 $0x2DE00, s7  }
0x10: {  	s9 =	sshrl.u32 s9, $0x3;
	s8 =	sadd.s32 $0x44BA0, s8;
	s10 =	sadd.s32 s11, s31  }
0x11: {  	s5 =	sadd.s32 $0x1A00, s6;
	s6 =	sadd.s32 $0xB800, s6;
	s9 =	sadd.s32 s11, s9  }
0x12: {  	s10 =	sadd.s32 $0x16DA0, s10;
	s11 =	smax.u32 s12, $0x1;
	s12 =	simm.s32 $0x3  }
.LBB2_1:
0x13: {  	[tilespmem:s3], [sflag:$0x3] =	stream.linear.gather [hbm4b:s5+s3], $0x2710, $0x38;
	[tilespmem:$0x12A70] =	vst v63  }
0x14: {  	_ =	swait.ge [sflag:s12], $0x2710  }
0x15: {  	[sflag:s12] =	ssyncset.done $0x0  }
0x16: {  	[sflag:s12] =	ssyncadd.s32 $0xFFFFD8F0  }
0x17: {  	[tilespmem:s13], [sflag:$0x3] =	stream.linear.gather [hbm4b:s6+s3], $0x2710, $0x38;
	[tilespmem:$0x12A70] =	vst v63  }
0x18: {  	_ =	swait.ge [sflag:s12], $0x2710  }
0x19: {  	[sflag:s12] =	ssyncset.done $0x0  }
0x1a: {  	s26 =	simm.s32 @p0 $0x1FC3;
	[sflag:s12] =	ssyncadd.s32 $0xFFFFD8F0  }
0x1b: {  	[spmem:s14], [sflag:s26] =	dma.local @p0 [hbm:s8], $0x1900  }
0x1c: {  	s26 =	simm.s32 @p0 $0x3  }
0x1d: {  	_ =	swait.ge @p0 [sflag:s26], $0x1900  }
0x1e: {  	[sflag:s26] =	ssyncset.done @p0 $0x0  }
0x1f: {  	[sflag:s26] =	ssyncadd.s32 @p0 $0xFFFFE700;
	s26 =	simm.s32 @!p0 $0x3  }
0x20: {  	[spmem:s16], [sflag:s15] =	dma.local @!p0 [hbm:s7], $0x1860  }
0x21: {  	_ =	swait.ge @!p0 [sflag:s26], $0x1860  }
0x22: {  	[sflag:s26] =	ssyncset.done @!p0 $0x0  }
0x23: {  	[sflag:s26] =	ssyncadd.s32 @!p0 $0xFFFFE7A0  }
0x24: {  	[bflag:$0x0] =	sbarrier.arrive $0xFFFF  }
0x25: {  	[tilespmem:s18], [sflag:$0x1] =	stream.indirect.gather [hbm4b:s4+s17], $0x50, s3, s17, $0xb8;
	[tilespmem:$0x12A70] =	vst v63  }
0x26: {  	_ =	swait.ge [sflag:s19], $0xC80  }
0x27: {  	[sflag:s19] =	ssyncset.done $0x0  }
0x28: {  	s28 =	simm.s32 $0x28;
	[sflag:s19] =	ssyncadd.s32 $0xFFFFF380  }
0x29: {  	[tilespmem:s20], [sflag:$0x2] =	stream.indirect.gather [hbm4b:s4+s17], $0x50, s28, s17, $0xb8;
	[tilespmem:$0x12A70] =	vst v63  }
0x2a: {  	s29 =	simm.s32 $0x2710  }
0x2b: {  	[spmem:s2] =	stream.indirect.scatter.add.f32 [tilespmem:s18], [sflag:$0x3], $0x50, s29, s17, $0xb8;
	[tilespmem:$0x12A70] =	vst v63  }
0x2c: {  	_ =	swait.ge [sflag:s12], $0xC80  }
0x2d: {  	[sflag:s12] =	ssyncset.done $0x0  }
0x2e: {  	[sflag:s12] =	ssyncadd.s32 $0xFFFFF380  }
0x2f: {  	_ =	swait.ge [sflag:s21], $0xC80  }
0x30: {  	[sflag:s21] =	ssyncset.done $0x0  }
0x31: {  	s30 =	simm.s32 $0x50;
	[sflag:s21] =	ssyncadd.s32 $0xFFFFF380  }
0x32: {  	[tilespmem:s18], [sflag:$0x1] =	stream.indirect.gather [hbm4b:s4+s17], $0x50, s30, s17, $0xb8;
	[tilespmem:$0x12A70] =	vst v63  }
0x33: {  	s31 =	simm.s32 $0x2738  }
0x34: {  	[spmem:s2] =	stream.indirect.scatter.add.f32 [tilespmem:s20], [sflag:$0x3], $0x50, s31, s17, $0xb8;
	[tilespmem:$0x12A70] =	vst v63  }
0x35: {  	_ =	swait.ge [sflag:s12], $0xC80  }
0x36: {  	s26 =	simm.s32 $0x140;
	[sflag:s12] =	ssyncset.done $0x0  }
.LBB2_2:
0x37: {  	p1 =	sne.s32 s26, $0x99C0  }
0x38: {  	[sflag:s12] =	ssyncadd.s32 $0xFFFFF380;
	s28 =	smov.u32 s26;
	s26 =	sadd.s32 $0x140, s26  }
0x39: {  	_ = 	snop  }
0x3a: {  	_ =	swait.ge [sflag:s19], $0xC80  }
0x3b: {  	s28 =	sshra.s32 s28, $0x2;
	[sflag:s19] =	ssyncset.done $0x0  }
0x3c: {  	s29 =	sadd.s32 $0x28, s28;
	[sflag:s19] =	ssyncadd.s32 $0xFFFFF380  }
0x3d: {  	[tilespmem:s20], [sflag:$0x2] =	stream.indirect.gather [hbm4b:s4+s17], $0x50, s29, s17, $0xb8;
	[tilespmem:$0x12A70] =	vst v63  }
0x3e: {  	s29 =	sadd.s32 $0x2710, s28  }
0x3f: {  	[spmem:s2] =	stream.indirect.scatter.add.f32 [tilespmem:s18], [sflag:$0x3], $0x50, s29, s17, $0xb8;
	[tilespmem:$0x12A70] =	vst v63  }
0x40: {  	_ =	swait.ge [sflag:s12], $0xC80  }
0x41: {  	[sflag:s12] =	ssyncset.done $0x0  }
0x42: {  	[sflag:s12] =	ssyncadd.s32 $0xFFFFF380  }
0x43: {  	_ =	swait.ge [sflag:s21], $0xC80  }
0x44: {  	[sflag:s21] =	ssyncset.done $0x0  }
0x45: {  	s29 =	sadd.s32 $0x50, s28;
	[sflag:s21] =	ssyncadd.s32 $0xFFFFF380  }
0x46: {  	[tilespmem:s18], [sflag:$0x1] =	stream.indirect.gather [hbm4b:s4+s17], $0x50, s29, s17, $0xb8;
	[tilespmem:$0x12A70] =	vst v63  }
.Ltmp0:
0x47: {  	_ = 	snop;
	(pc) =	sbr.rel @p1 .LBB2_2-.Ltmp0, $4  }
0x48: {  	s28 =	sadd.s32 $0x2738, s28  }
0x49: {  	[spmem:s2] =	stream.indirect.scatter.add.f32 [tilespmem:s20], [sflag:$0x3], $0x50, s28, s17, $0xb8;
	[tilespmem:$0x12A70] =	vst v63  }
0x4a: {  	_ =	swait.ge [sflag:s12], $0xC80  }
0x4b: {  	[sflag:s12] =	ssyncset.done $0x0  }
0x4c: {  	[sflag:s12] =	ssyncadd.s32 $0xFFFFF380  }
0x4d: {  	_ =	swait.ge [sflag:s19], $0xC80  }
0x4e: {  	[sflag:s19] =	ssyncset.done $0x0  }
0x4f: {  	[sflag:s19] =	ssyncadd.s32 $0xFFFFF380  }
0x50: {  	[tilespmem:s20], [sflag:$0x2] =	stream.indirect.gather [hbm4b:s4+s17], $0x50, s22, s17, $0xb8;
	[tilespmem:$0x12A70] =	vst v63  }
0x51: {  	_ = 	snop  }
0x52: {  	[spmem:s2] =	stream.indirect.scatter.add.f32 [tilespmem:s18], [sflag:$0x3], $0x50, s23, s17, $0xb8;
	[tilespmem:$0x12A70] =	vst v63  }
0x53: {  	_ =	swait.ge [sflag:s12], $0xC80  }
0x54: {  	[sflag:s12] =	ssyncset.done $0x0  }
0x55: {  	[sflag:s12] =	ssyncadd.s32 $0xFFFFF380  }
0x56: {  	_ =	swait.ge [sflag:s21], $0xC80  }
0x57: {  	[sflag:s21] =	ssyncset.done $0x0  }
0x58: {  	[sflag:s21] =	ssyncadd.s32 $0xFFFFF380  }
0x59: {  	[spmem:s2] =	stream.indirect.scatter.add.f32 [tilespmem:s20], [sflag:$0x3], $0x50, s24, s17, $0xb8;
	[tilespmem:$0x12A70] =	vst v63  }
0x5a: {  	_ =	swait.ge [sflag:s12], $0xC80  }
0x5b: {  	[sflag:s12] =	ssyncset.done $0x0  }
0x5c: {  	[sflag:s12] =	ssyncadd.s32 $0xFFFFF380  }
0x5d: {  	s26 =	simm.s32 @p0 $0x1FC3;
	[bflag:$0x0] =	sbarrier.arrive $0xFFFF  }
0x5e: {  	[hbm:s10], [sflag:s26] =	dma.local @p0 [spmem:s14], $0x1900  }
0x5f: {  	s26 =	simm.s32 @p0 $0x3  }
0x60: {  	s25 =	sadd.s32 $0x1, s25;
	_ =	swait.ge @p0 [sflag:s26], $0x1900  }
0x61: {  	p1 =	sne.s32 s25, s11;
	[sflag:s26] =	ssyncset.done @p0 $0x0  }
.Ltmp1:
0x62: {  	[sflag:s26] =	ssyncadd.s32 @p0 $0xFFFFE700;
	s26 =	simm.s32 @!p0 $0x3;
	(pc) =	sbr.rel @p1 .LBB2_1-.Ltmp1, $4  }
0x63: {  	[hbm:s9], [sflag:s15] =	dma.local @!p0 [spmem:s16], $0x1860  }
0x64: {  	_ =	swait.ge @!p0 [sflag:s26], $0x1860  }
0x65: {  	[sflag:s26] =	ssyncset.done @!p0 $0x0  }
0x66: {  	[sflag:s26] =	ssyncadd.s32 @!p0 $0xFFFFE7A0  }
0x67: {  	_ =	sfence.sel $0x180000  }
0x68: {  	[bflag:$0x0] =	sbarrier.arrive $0xFFFF  }
0x69: {  	p0 =	sne.s32 s1, $0x0;
	_ =	strace $0x9000004A  }
0x6a: {  	s0 =	sadd.s32 @!p0 $0x100000, s0;
	[bflag:$0x2] =	sbarrier.arrive $0xFFFF  }
0x6b: {  	[sflag:s0] =	ssyncadd.tile.s32 @!p0 $0x1;
	_ =	shalt  }
.Lfunc_end2:
_tile_overlayer_lowered:
.L_overlay_start_2:
0x6c: {  	(tag) =	ssettag $0x2  }
0x6d: {  	s0 =	rddreg [dreg:$0x0];
	s2 =	stileid.u32  }
0x6e: {  	s1 =	rddreg [dreg:$0x1];
	p0 =	sne.s32 s2, $0x0  }
0x6f: {  	s3 =	rddreg [dreg:$0x2];
	[bflag:$0x3] =	sbarrier.arrive $0xFFFF;
	s2 =	simm.s32 @!p0 $0x1C03  }
0x70: {  	[timem:s3], [sflag:s2] =	dma.local @!p0 [hbm:s0], s1  }
0x71: {  	s0 =	simm.s32 @!p0 $0x3  }
0x72: {  	_ =	swait.ge @!p0 [sflag:s0], s1  }
0x73: {  	s1 =	ssub.s32 @!p0 $0x0, s1;
	[sflag:s0] =	ssyncset.done @!p0 $0x0  }
0x74: {  	[sflag:s0] =	ssyncadd.s32 @!p0 s1  }
0x75: {  	[bflag:$0x3] =	sbarrier.arrive $0xFFFF  }
0x76: {  	_ =	shalt  }

// kernel: kernel.15.cloned.1.call-start
scs
__scs_entry_jumppad:
0x0: {  	(pc) =	sbr.rel $0x88, $3  }
0x1: {  	(tag) =	ssettag $0x0;
	lr =	simm.s32 $0x1  }
0x2: {  	[smem:$0x3F99] =	sst lr;
	_ =	strace $0xD0000000  }
0x3: {  	_ = 	snop  }
0x4: {  	_ = 	snop  }
0x5: {  	_ = 	snop  }
0x6: {  	_ = 	snop  }
0x7: {  	_ = 	snop  }
__scs_overlays_trampoline_lowered:
0x8: {  	[smem:$0x3FA8] =	sst s0  }
0x9: {  	[smem:$0x3FA9] =	sst s1  }
0xa: {  	[smem:$0x3FAA] =	sst s2  }
0xb: {  	[smem:$0x3FAB] =	sst s3  }
0xc: {  	[smem:$0x3FAC] =	sst s4  }
0xd: {  	[smem:$0x3FAD] =	sst s5  }
0xe: {  	[smem:$0x3FAE] =	sst s6  }
0xf: {  	[smem:$0x3FAF] =	sst s7  }
0x10: {  	[smem:$0x3FB0] =	sst s8  }
0x11: {  	[smem:$0x3FB1] =	sst s9;
	s0 =	simm.s32 @!p0 $0x0  }
0x12: {  	s1 =	sld [smem:$0x3F97];
	s0 =	simm.s32 @p0 $0x1  }
0x13: {  	[smem:$0x3FB2] =	sst s0;
	s0 =	simm.s32 @!p1 $0x0  }
0x14: {  	s2 =	sld [smem:$0x3F96];
	s0 =	simm.s32 @p1 $0x1  }
0x15: {  	[smem:$0x3FB3] =	sst s0;
	s0 =	simm.s32 @!p2 $0x0  }
0x16: {  	s3 =	sld [smem:$0x3FDB];
	s0 =	simm.s32 @p2 $0x1  }
0x17: {  	s4 =	simm.s32 $0x1BF5;
	[smem:$0x3FB5] =	sst s0  }
0x18: {  	s0 =	sld [smem:$0x3F98];
	_ =	swait.ge [sflag:s4], $0x0  }
0x19: {  	s7 =	sld [smem:$0x3F99]  }
0x1a: {  	s8 =	sadd.s32 $0xFFFFE003, lr  }
0x1b: {  	s9 =	sadd.s32 $0xFFFFFEF7, lr;
	s5 =	simm.s32 $0xFFFFFFFF;
	p2 =	slt.u32 s8, $0xFFFFF086  }
0x1c: {  	p1 =	slt.u32 s9, $0xF7A;
	s5 =	simm.s32 @!p2 $0x0  }
0x1d: {  	s5 =	simm.s32 @p1 $0x1;
	p0 =	seq.s32 s7, s2  }
0x1e: {  	s7 =	smul.u32 @!p0 $0xF7A, s2;
	p2 =	seq.s32 @!p0 s5, $0x0  }
0x1f: {  	s9 =	smul.u32 $0xF7A, s1;
	s8 =	simm.s32 @!p0 $0x1BF5;
	p2 =	por !p2, p0  }
0x20: {  	[sflag:s8] =	ssyncset.s32 @!p0 $0xFFFFF086;
	s6 =	sadd.s32 @!p0 s3, s7;
	s7 =	simm.s32 @!p0 $0x108  }
0x21: {  	s3 =	sadd.s32 s3, s9;
	s6 =	sadd.s32 @!p0 $0x88, s6;
	s7 =	simm.s32 @p2 $0x1082  }
0x22: {  	[simem:s7], [sflag:s8] =	dma.local @!p0 [hbm:s6], $0xF7A  }
0x23: {  	s9 =	sor.u32 $0xD0000000, s2;
	s6 =	simm.s32 $0x108;
	_ =	swait.ge @!p0 [sflag:s8], $0x0  }
0x24: {  	s3 =	sadd.s32 $0x88, s3;
	s6 =	simm.s32 @!p1 $0x1082;
	[sflag:s4] =	ssyncset.s32 $0xFFFFF086  }
0x25: {  	[simem:s6], [sflag:s4] =	dma.local [hbm:s3], $0xF7A  }
0x26: {  	[smem:$0x3F99] =	sst s1;
	(tag) =	ssettag s2;
	_ =	strace s9  }
0x27: {  	s1 =	sld [smem:$0x3FA9]  }
0x28: {  	s2 =	sld [smem:$0x3FAA]  }
0x29: {  	s4 =	sld [smem:$0x3FAC]  }
0x2a: {  	p0 =	seq.s32 s5, $0x0;
	s5 =	sld [smem:$0x3FAD]  }
0x2b: {  	s6 =	sld [smem:$0x3FAE]  }
0x2c: {  	s7 =	sld [smem:$0x3FAF]  }
0x2d: {  	s3 =	simm.s32 $0x108;
	s8 =	sld [smem:$0x3FB0]  }
0x2e: {  	s3 =	simm.s32 @!p0 $0x1082;
	s9 =	sld [smem:$0x3FB1]  }
0x2f: {  	lr =	sadd.s32 s0, s3;
	s0 =	sld [smem:$0x3FA8]  }
0x30: {  	s3 =	sld [smem:$0x3FAB]  }
0x31: {  	[smem:$0x3FB4] =	sst s10  }
0x32: {  	s10 =	sld [smem:$0x3FB2];
	_ =	sdelay $0x3  }
0x33: {  	p0 =	seq.s32 s10, $0x1;
	s10 =	sld [smem:$0x3FB4];
	_ =	sdelay $0x3  }
0x34: {  	[smem:$0x3FB4] =	sst s10  }
0x35: {  	s10 =	sld [smem:$0x3FB3];
	_ =	sdelay $0x3  }
0x36: {  	p1 =	seq.s32 s10, $0x1;
	s10 =	sld [smem:$0x3FB4];
	_ =	sdelay $0x3  }
0x37: {  	[smem:$0x3FB4] =	sst s10  }
0x38: {  	s10 =	sld [smem:$0x3FB5]  }
0x39: {  	_ = 	snop;
	(pc) =	sbr.ind lr, $3  }
0x3a: {  	_ = 	snop  }
0x3b: {  	_ = 	snop  }
0x3c: {  	p2 =	seq.s32 s10, $0x1;
	s10 =	sld [smem:$0x3FB4]  }
0x3d: {  	_ =	shalt  }
0x3e: {  	_ =	shalt  }
0x3f: {  	_ =	shalt  }
0x40: {  	_ =	shalt  }
0x41: {  	_ =	shalt  }
0x42: {  	_ =	shalt  }
0x43: {  	_ =	shalt  }
0x44: {  	_ =	shalt  }
0x45: {  	_ =	shalt  }
0x46: {  	_ =	shalt  }
0x47: {  	_ =	shalt  }
0x48: {  	_ =	shalt  }
0x49: {  	_ =	shalt  }
0x4a: {  	_ =	shalt  }
0x4b: {  	_ =	shalt  }
0x4c: {  	_ =	shalt  }
0x4d: {  	_ =	shalt  }
0x4e: {  	_ =	shalt  }
0x4f: {  	_ =	shalt  }
0x50: {  	_ =	shalt  }
0x51: {  	_ =	shalt  }
0x52: {  	_ =	shalt  }
0x53: {  	_ =	shalt  }
0x54: {  	_ =	shalt  }
0x55: {  	_ =	shalt  }
0x56: {  	_ =	shalt  }
0x57: {  	_ =	shalt  }
0x58: {  	_ =	shalt  }
0x59: {  	_ =	shalt  }
0x5a: {  	_ =	shalt  }
0x5b: {  	_ =	shalt  }
0x5c: {  	_ =	shalt  }
0x5d: {  	_ =	shalt  }
0x5e: {  	_ =	shalt  }
0x5f: {  	_ =	shalt  }
0x60: {  	_ =	shalt  }
0x61: {  	_ =	shalt  }
0x62: {  	_ =	shalt  }
0x63: {  	_ =	shalt  }
0x64: {  	_ =	shalt  }
0x65: {  	_ =	shalt  }
0x66: {  	_ =	shalt  }
0x67: {  	_ =	shalt  }
0x68: {  	_ =	shalt  }
0x69: {  	_ =	shalt  }
0x6a: {  	_ =	shalt  }
0x6b: {  	_ =	shalt  }
0x6c: {  	_ =	shalt  }
0x6d: {  	_ =	shalt  }
0x6e: {  	_ =	shalt  }
0x6f: {  	_ =	shalt  }
0x70: {  	_ =	shalt  }
0x71: {  	_ =	shalt  }
0x72: {  	_ =	shalt  }
0x73: {  	_ =	shalt  }
0x74: {  	_ =	shalt  }
0x75: {  	_ =	shalt  }
0x76: {  	_ =	shalt  }
0x77: {  	_ =	shalt  }
0x78: {  	_ =	shalt  }
0x79: {  	_ =	shalt  }
0x7a: {  	_ =	shalt  }
0x7b: {  	_ =	shalt  }
0x7c: {  	_ =	shalt  }
0x7d: {  	_ =	shalt  }
0x7e: {  	_ =	shalt  }
0x7f: {  	_ =	shalt  }
0x80: {  	_ =	shalt  }
0x81: {  	_ =	shalt  }
0x82: {  	_ =	shalt  }
0x83: {  	_ =	shalt  }
0x84: {  	_ =	shalt  }
0x85: {  	_ =	shalt  }
0x86: {  	_ =	shalt  }
0x87: {  	_ =	shalt  }
.Lfunc_end0:
.L_simem_size_0:
called_computation.2_lowered:
.L_overlay_start_0:
0x88: {  	s2 =	sld [smem:$0x3FD9]  }
0x89: {  	s3 =	sld [smem:$0x3FFE];
	_ =	sdelay $0x1  }
0x8a: {  	s1 =	srdreg.scid  }
0x8b: {  	s0 =	sand.u32 $0x1, s1  }
0x8c: {  	s16 =	sshll.u32 s0, $0xA;
	s2 =	sadd.s32 s3, s2  }
0x8d: {  	s2 =	sadd.s32 s2, s16  }
0x8e: {  	[smem:$0x3FC0] =	sst s2  }
0x8f: {  	_ = 	snop  }
0x90: {  	(tm) =	ssettm $0x1  }
0x91: {  	s17 =	sld [smem:$0x3FFB];
	_ =	sdelay $0x3  }
0x92: {  	_ =	strace s17  }
0x93: {  	s2 =	sld [smem:$0x3FFC];
	_ =	sdelay $0x3  }
0x94: {  	_ =	strace s2  }
0x95: {  	s2 =	sld [smem:$0x3FFD];
	_ =	sdelay $0x3  }
0x96: {  	_ =	strace s2  }
0x97: {  	_ =	strace $0x8FFFFFFF  }
0x98: {  	s18 =	sld [smem:$0x3FDB];
	_ =	sdelay $0x1  }
0x99: {  	s19 =	simm.s32 $_scs_section_size  }
0x9a: {  	s4 =	simm.s32 $_size__tile_overlayer_lowered;
	s5 =	simm.s32 $_tile_overlayer_lowered  }
0x9b: {  	s22 =	simm.s32 $0x1BFF;
	s21 =	sshll.u32 s5, $0x1;
	s2 =	sadd.s32 s19, s18  }
0x9c: {  	s6 =	simm.s32 $0x0;
	s20 =	sshll.u32 s4, $0x1;
	s4 =	sadd.s32 s21, s2  }
0x9d: {  	[timem:s6], [sflag:s22] =	dma.local [hbm:s4], s20  }
0x9e: {  	_ =	swait.ge [sflag:s22], s20  }
0x9f: {  	s3 =	ssub.s32 $0x0, s20;
	[sflag:s22] =	ssyncset.done $0x0  }
0xa0: {  	[sflag:s22] =	ssyncadd.s32 s3;
	_ =	sdelay $0x1  }
0xa1: {  	s23 =	simm.s32 $0x1B8B  }
0xa2: {  	_ =	swait.ge [sflag:s23], $0x1  }
0xa3: {  	[sflag:s23] =	ssyncset.done $0x0  }
0xa4: {  	s25 =	simm.s32 $0x1B8E;
	s24 =	sld [smem:$0x3FFE];
	[sflag:s23] =	ssyncadd.s32 $0xFFFFFFFF  }
0xa5: {  	s26 =	simm.s32 $execute0_lowered;
	[smem:$0x3FD2] =	sst s25  }
0xa6: {  	s4 =	sshll.u32 s26, $0x1;
	_ =	strace $0x8000004C;
	[dreg:$0x1] =	wrdreg $0xFFFFFFFF  }
0xa7: {  	s28 =	simm.s32 $_size_execute0_lowered;
	s2 =	sadd.s32 s2, s4;
	[dreg:$0x0] =	wrdreg $0x0  }
0xa8: {  	s4 =	sshll.u32 s28, $0x1;
	[dreg:$0x2] =	wrdreg s2  }
0xa9: {  	[dreg:$0x3] =	wrdreg s4  }
0xaa: {  	[dreg:$0x4] =	wrdreg $0xC0  }
0xab: {  	_ =	task [dreg:s6], $0x5FFFF  }
0xac: {  	[dreg:$0x1] =	wrdreg $0xFFFFFFFF  }
0xad: {  	[dreg:$0x0] =	wrdreg $0x60  }
0xae: {  	[dreg:$0x2] =	wrdreg s24  }
0xaf: {  	[dreg:$0x3] =	wrdreg $0x67200  }
0xb0: {  	[dreg:$0x4] =	wrdreg $0x9  }
0xb1: {  	_ =	task.clear_ibuf [dreg:s6], $0x5FFFF;
	_ =	strace $0x9000004C  }
0xb2: {  	s29 =	simm.s32 $0x9;
	_ =	strace $0x8000004E  }
0xb3: {  	_ =	swait.ge [sflag:s29], $0x1  }
0xb4: {  	[sflag:s29] =	ssyncadd.s32 $0xFFFFFFFF  }
0xb5: {  	_ =	strace $0x9000004E  }
0xb6: {  	_ =	sfence  }
0xb7: {  	s30 =	sld [smem:$0x0];
	_ =	sdelay $0x2  }
0xb8: {  	s31 =	sshll.u32 s1, $0xD;
	s1 =	sshrl.u32 s1, $0x2  }
0xb9: {  	s3 =	sand.u32 $0x4000, s31;
	s1 =	sadd.s32 s1, s30  }
0xba: {  	s0 =	sor.u32 s3, s0;
	s1 =	sshll.u32 s1, $0x11  }
0xbb: {  	s0 =	sor.u32 s1, s0  }
0xbc: {  	s0 =	sadd.s32 $0x8F2B, s0  }
0xbd: {  	[sflag:s0] =	ssyncadd.remote.s32 $0x1  }
0xbe: {  	_ =	sfence.sel $0xFFFF  }
0xbf: {  	[dreg:$0x0] =	wrdreg $0xFFFFFFFF;
	(pc) =	sbr.abs _section_cstart, $3  }
0xc0: {  	[dreg:$0x1] =	wrdreg $0xFFFFFFFF  }
0xc1: {  	_ =	task.clear_ibuf [dreg:s6], $0x2FFFF;
	_ =	strace $0x9FFFFFFF  }
0xc2: {  	(tm) =	ssettm $0x7FFFFFFF  }
0xc3: {  	_ =	shalt  }
tec
execute0_lowered:
.L_overlay_start_1:
0x0: {  	(tag) =	ssettag $0x1  }
0x1: {  	s8 =	rddreg [dreg:$0x0]  }
0x2: {  	s2 =	rddreg [dreg:$0x1];
	s3 =	srdreg.scid  }
0x3: {  	s1 =	stileid.u32;
	s0 =	rddreg [dreg:$0x2];
	s17 =	simm.s32 $0x28  }
0x4: {  	s18 =	simm.s32 $0x4E20;
	s19 =	simm.s32 $0x1;
	s20 =	simm.s32 $0x5AA0  }
0x5: {  	s21 =	simm.s32 $0x2;
	s22 =	simm.s32 $0x26E8;
	s23 =	simm.s32 $0x4DD0  }
0x6: {  	s24 =	simm.s32 $0x4DF8;
	s25 =	simm.s32 $0x0;
	s5 =	sand.u32 $0x1, s3  }
0x7: {  	s4 =	sshll.u32 s1, $0x1;
	s3 =	simm.s32 $0x0;
	s9 =	smul.u32 $0xC300, s1  }
0x8: {  	s11 =	sadd.s32 $0x46600, s8;
	s14 =	sadd.s32 $0xB6D00, s2;
	p0 =	seq.s32 s1, $0xF  }
0x9: {  	s4 =	sor.u32 s5, s4;
	[smem:$0x7FF] =	sst s3;
	s10 =	ssub.s32 $0x2, s5  }
0xa: {  	s13 =	smul.u32 $0xC3500, s5;
	s15 =	sshll.u32 @!p0 s1, $0x6;
	s14 =	sshrl.u32 @p0 s14, $0x3  }
0xb: {  	s6 =	smul.u32 $0x4E2, s4;
	_ =	strace $0x8000004D;
	s4 =	sadd.s32 $0x15600, s8  }
0xc: {  	s7 =	sshrl.u32 s9, $0x3;
	s12 =	sshrl.u32 s10, $0x1;
	s16 =	sadd.s32 s9, s2  }
0xd: {  	s15 =	sor.u32 @!p0 $0x1C03, s15;
	s7 =	sadd.s32 s7, s8;
	s12 =	ssub.s32 s10, s12  }
0xe: {  	s9 =	sadd.s32 s9, s13;
	s31 =	sshrl.u32 s13, $0x3;
	s13 =	simm.s32 $0x2710  }
0xf: {  	s16 =	sshrl.u32 @!p0 s16, $0x3;
	s6 =	sadd.s32 s6, s8;
	s7 =	sadd.s32 $0x2DE00, s7  }
0x10: {  	s9 =	sshrl.u32 s9, $0x3;
	s8 =	sadd.s32 $0x44BA0, s8;
	s10 =	sadd.s32 s11, s31  }
0x11: {  	s5 =	sadd.s32 $0x1A00, s6;
	s6 =	sadd.s32 $0xB800, s6;
	s9 =	sadd.s32 s11, s9  }
0x12: {  	s10 =	sadd.s32 $0x16DA0, s10;
	s11 =	smax.u32 s12, $0x1;
	s12 =	simm.s32 $0x3  }
.LBB2_1:
0x13: {  	[tilespmem:s3], [sflag:$0x3] =	stream.linear.gather [hbm4b:s5+s3], $0x2710, $0x38;
	[tilespmem:$0x12A70] =	vst v63  }
0x14: {  	_ =	swait.ge [sflag:s12], $0x2710  }
0x15: {  	[sflag:s12] =	ssyncset.done $0x0  }
0x16: {  	[sflag:s12] =	ssyncadd.s32 $0xFFFFD8F0  }
0x17: {  	[tilespmem:s13], [sflag:$0x3] =	stream.linear.gather [hbm4b:s6+s3], $0x2710, $0x38;
	[tilespmem:$0x12A70] =	vst v63  }
0x18: {  	_ =	swait.ge [sflag:s12], $0x2710  }
0x19: {  	[sflag:s12] =	ssyncset.done $0x0  }
0x1a: {  	s26 =	simm.s32 @p0 $0x1FC3;
	[sflag:s12] =	ssyncadd.s32 $0xFFFFD8F0  }
0x1b: {  	[spmem:s14], [sflag:s26] =	dma.local @p0 [hbm:s8], $0x1900  }
0x1c: {  	s26 =	simm.s32 @p0 $0x3  }
0x1d: {  	_ =	swait.ge @p0 [sflag:s26], $0x1900  }
0x1e: {  	[sflag:s26] =	ssyncset.done @p0 $0x0  }
0x1f: {  	[sflag:s26] =	ssyncadd.s32 @p0 $0xFFFFE700;
	s26 =	simm.s32 @!p0 $0x3  }
0x20: {  	[spmem:s16], [sflag:s15] =	dma.local @!p0 [hbm:s7], $0x1860  }
0x21: {  	_ =	swait.ge @!p0 [sflag:s26], $0x1860  }
0x22: {  	[sflag:s26] =	ssyncset.done @!p0 $0x0  }
0x23: {  	[sflag:s26] =	ssyncadd.s32 @!p0 $0xFFFFE7A0  }
0x24: {  	[bflag:$0x0] =	sbarrier.arrive $0xFFFF  }
0x25: {  	[tilespmem:s18], [sflag:$0x1] =	stream.indirect.gather [hbm4b:s4+s17], $0x50, s3, s17, $0xb8;
	[tilespmem:$0x12A70] =	vst v63  }
0x26: {  	_ =	swait.ge [sflag:s19], $0xC80  }
0x27: {  	[sflag:s19] =	ssyncset.done $0x0  }
0x28: {  	s28 =	simm.s32 $0x28;
	[sflag:s19] =	ssyncadd.s32 $0xFFFFF380  }
0x29: {  	[tilespmem:s20], [sflag:$0x2] =	stream.indirect.gather [hbm4b:s4+s17], $0x50, s28, s17, $0xb8;
	[tilespmem:$0x12A70] =	vst v63  }
0x2a: {  	s29 =	simm.s32 $0x2710  }
0x2b: {  	[spmem:s2] =	stream.indirect.scatter.add.f32 [tilespmem:s18], [sflag:$0x3], $0x50, s29, s17, $0xb8;
	[tilespmem:$0x12A70] =	vst v63  }
0x2c: {  	_ =	swait.ge [sflag:s12], $0xC80  }
0x2d: {  	[sflag:s12] =	ssyncset.done $0x0  }
0x2e: {  	[sflag:s12] =	ssyncadd.s32 $0xFFFFF380  }
0x2f: {  	_ =	swait.ge [sflag:s21], $0xC80  }
0x30: {  	[sflag:s21] =	ssyncset.done $0x0  }
0x31: {  	s30 =	simm.s32 $0x50;
	[sflag:s21] =	ssyncadd.s32 $0xFFFFF380  }
0x32: {  	[tilespmem:s18], [sflag:$0x1] =	stream.indirect.gather [hbm4b:s4+s17], $0x50, s30, s17, $0xb8;
	[tilespmem:$0x12A70] =	vst v63  }
0x33: {  	s31 =	simm.s32 $0x2738  }
0x34: {  	[spmem:s2] =	stream.indirect.scatter.add.f32 [tilespmem:s20], [sflag:$0x3], $0x50, s31, s17, $0xb8;
	[tilespmem:$0x12A70] =	vst v63  }
0x35: {  	_ =	swait.ge [sflag:s12], $0xC80  }
0x36: {  	s26 =	simm.s32 $0x140;
	[sflag:s12] =	ssyncset.done $0x0  }
.LBB2_2:
0x37: {  	p1 =	sne.s32 s26, $0x99C0  }
0x38: {  	[sflag:s12] =	ssyncadd.s32 $0xFFFFF380;
	s28 =	smov.u32 s26;
	s26 =	sadd.s32 $0x140, s26  }
0x39: {  	_ = 	snop  }
0x3a: {  	_ =	swait.ge [sflag:s19], $0xC80  }
0x3b: {  	s28 =	sshra.s32 s28, $0x2;
	[sflag:s19] =	ssyncset.done $0x0  }
0x3c: {  	s29 =	sadd.s32 $0x28, s28;
	[sflag:s19] =	ssyncadd.s32 $0xFFFFF380  }
0x3d: {  	[tilespmem:s20], [sflag:$0x2] =	stream.indirect.gather [hbm4b:s4+s17], $0x50, s29, s17, $0xb8;
	[tilespmem:$0x12A70] =	vst v63  }
0x3e: {  	s29 =	sadd.s32 $0x2710, s28  }
0x3f: {  	[spmem:s2] =	stream.indirect.scatter.add.f32 [tilespmem:s18], [sflag:$0x3], $0x50, s29, s17, $0xb8;
	[tilespmem:$0x12A70] =	vst v63  }
0x40: {  	_ =	swait.ge [sflag:s12], $0xC80  }
0x41: {  	[sflag:s12] =	ssyncset.done $0x0  }
0x42: {  	[sflag:s12] =	ssyncadd.s32 $0xFFFFF380  }
0x43: {  	_ =	swait.ge [sflag:s21], $0xC80  }
0x44: {  	[sflag:s21] =	ssyncset.done $0x0  }
0x45: {  	s29 =	sadd.s32 $0x50, s28;
	[sflag:s21] =	ssyncadd.s32 $0xFFFFF380  }
0x46: {  	[tilespmem:s18], [sflag:$0x1] =	stream.indirect.gather [hbm4b:s4+s17], $0x50, s29, s17, $0xb8;
	[tilespmem:$0x12A70] =	vst v63  }
.Ltmp0:
0x47: {  	_ = 	snop;
	(pc) =	sbr.rel @p1 .LBB2_2-.Ltmp0, $4  }
0x48: {  	s28 =	sadd.s32 $0x2738, s28  }
0x49: {  	[spmem:s2] =	stream.indirect.scatter.add.f32 [tilespmem:s20], [sflag:$0x3], $0x50, s28, s17, $0xb8;
	[tilespmem:$0x12A70] =	vst v63  }
0x4a: {  	_ =	swait.ge [sflag:s12], $0xC80  }
0x4b: {  	[sflag:s12] =	ssyncset.done $0x0  }
0x4c: {  	[sflag:s12] =	ssyncadd.s32 $0xFFFFF380  }
0x4d: {  	_ =	swait.ge [sflag:s19], $0xC80  }
0x4e: {  	[sflag:s19] =	ssyncset.done $0x0  }
0x4f: {  	[sflag:s19] =	ssyncadd.s32 $0xFFFFF380  }
0x50: {  	[tilespmem:s20], [sflag:$0x2] =	stream.indirect.gather [hbm4b:s4+s17], $0x50, s22, s17, $0xb8;
	[tilespmem:$0x12A70] =	vst v63  }
0x51: {  	_ = 	snop  }
0x52: {  	[spmem:s2] =	stream.indirect.scatter.add.f32 [tilespmem:s18], [sflag:$0x3], $0x50, s23, s17, $0xb8;
	[tilespmem:$0x12A70] =	vst v63  }
0x53: {  	_ =	swait.ge [sflag:s12], $0xC80  }
0x54: {  	[sflag:s12] =	ssyncset.done $0x0  }
0x55: {  	[sflag:s12] =	ssyncadd.s32 $0xFFFFF380  }
0x56: {  	_ =	swait.ge [sflag:s21], $0xC80  }
0x57: {  	[sflag:s21] =	ssyncset.done $0x0  }
0x58: {  	[sflag:s21] =	ssyncadd.s32 $0xFFFFF380  }
0x59: {  	[spmem:s2] =	stream.indirect.scatter.add.f32 [tilespmem:s20], [sflag:$0x3], $0x50, s24, s17, $0xb8;
	[tilespmem:$0x12A70] =	vst v63  }
0x5a: {  	_ =	swait.ge [sflag:s12], $0xC80  }
0x5b: {  	[sflag:s12] =	ssyncset.done $0x0  }
0x5c: {  	[sflag:s12] =	ssyncadd.s32 $0xFFFFF380  }
0x5d: {  	s26 =	simm.s32 @p0 $0x1FC3;
	[bflag:$0x0] =	sbarrier.arrive $0xFFFF  }
0x5e: {  	[hbm:s10], [sflag:s26] =	dma.local @p0 [spmem:s14], $0x1900  }
0x5f: {  	s26 =	simm.s32 @p0 $0x3  }
0x60: {  	s25 =	sadd.s32 $0x1, s25;
	_ =	swait.ge @p0 [sflag:s26], $0x1900  }
0x61: {  	p1 =	sne.s32 s25, s11;
	[sflag:s26] =	ssyncset.done @p0 $0x0  }
.Ltmp1:
0x62: {  	[sflag:s26] =	ssyncadd.s32 @p0 $0xFFFFE700;
	s26 =	simm.s32 @!p0 $0x3;
	(pc) =	sbr.rel @p1 .LBB2_1-.Ltmp1, $4  }
0x63: {  	[hbm:s9], [sflag:s15] =	dma.local @!p0 [spmem:s16], $0x1860  }
0x64: {  	_ =	swait.ge @!p0 [sflag:s26], $0x1860  }
0x65: {  	[sflag:s26] =	ssyncset.done @!p0 $0x0  }
0x66: {  	[sflag:s26] =	ssyncadd.s32 @!p0 $0xFFFFE7A0  }
0x67: {  	_ =	sfence.sel $0x180000  }
0x68: {  	[bflag:$0x0] =	sbarrier.arrive $0xFFFF  }
0x69: {  	p0 =	sne.s32 s1, $0x0;
	_ =	strace $0x9000004D  }
0x6a: {  	s0 =	sadd.s32 @!p0 $0x100000, s0;
	[bflag:$0x2] =	sbarrier.arrive $0xFFFF  }
0x6b: {  	[sflag:s0] =	ssyncadd.tile.s32 @!p0 $0x1;
	_ =	shalt  }
.Lfunc_end2:
_tile_overlayer_lowered:
.L_overlay_start_2:
0x6c: {  	(tag) =	ssettag $0x2  }
0x6d: {  	s0 =	rddreg [dreg:$0x0];
	s2 =	stileid.u32  }
0x6e: {  	s1 =	rddreg [dreg:$0x1];
	p0 =	sne.s32 s2, $0x0  }
0x6f: {  	s3 =	rddreg [dreg:$0x2];
	[bflag:$0x3] =	sbarrier.arrive $0xFFFF;
	s2 =	simm.s32 @!p0 $0x1C03  }
0x70: {  	[timem:s3], [sflag:s2] =	dma.local @!p0 [hbm:s0], s1  }
0x71: {  	s0 =	simm.s32 @!p0 $0x3  }
0x72: {  	_ =	swait.ge @!p0 [sflag:s0], s1  }
0x73: {  	s1 =	ssub.s32 @!p0 $0x0, s1;
	[sflag:s0] =	ssyncset.done @!p0 $0x0  }
0x74: {  	[sflag:s0] =	ssyncadd.s32 @!p0 s1  }
0x75: {  	[bflag:$0x3] =	sbarrier.arrive $0xFFFF  }
0x76: {  	_ =	shalt  }

// kernel: kernel.9.cloned.1.call-start
scs
__scs_entry_jumppad:
0x0: {  	(pc) =	sbr.rel $0x88, $3  }
0x1: {  	(tag) =	ssettag $0x0;
	lr =	simm.s32 $0x1  }
0x2: {  	[smem:$0x3F99] =	sst lr;
	_ =	strace $0xD0000000  }
0x3: {  	_ = 	snop  }
0x4: {  	_ = 	snop  }
0x5: {  	_ = 	snop  }
0x6: {  	_ = 	snop  }
0x7: {  	_ = 	snop  }
__scs_overlays_trampoline_lowered:
0x8: {  	[smem:$0x3FA8] =	sst s0  }
0x9: {  	[smem:$0x3FA9] =	sst s1  }
0xa: {  	[smem:$0x3FAA] =	sst s2  }
0xb: {  	[smem:$0x3FAB] =	sst s3  }
0xc: {  	[smem:$0x3FAC] =	sst s4  }
0xd: {  	[smem:$0x3FAD] =	sst s5  }
0xe: {  	[smem:$0x3FAE] =	sst s6  }
0xf: {  	[smem:$0x3FAF] =	sst s7  }
0x10: {  	[smem:$0x3FB0] =	sst s8  }
0x11: {  	[smem:$0x3FB1] =	sst s9;
	s0 =	simm.s32 @!p0 $0x0  }
0x12: {  	s1 =	sld [smem:$0x3F97];
	s0 =	simm.s32 @p0 $0x1  }
0x13: {  	[smem:$0x3FB2] =	sst s0;
	s0 =	simm.s32 @!p1 $0x0  }
0x14: {  	s2 =	sld [smem:$0x3F96];
	s0 =	simm.s32 @p1 $0x1  }
0x15: {  	[smem:$0x3FB3] =	sst s0;
	s0 =	simm.s32 @!p2 $0x0  }
0x16: {  	s3 =	sld [smem:$0x3FDB];
	s0 =	simm.s32 @p2 $0x1  }
0x17: {  	s4 =	simm.s32 $0x1BF5;
	[smem:$0x3FB5] =	sst s0  }
0x18: {  	s0 =	sld [smem:$0x3F98];
	_ =	swait.ge [sflag:s4], $0x0  }
0x19: {  	s7 =	sld [smem:$0x3F99]  }
0x1a: {  	s8 =	sadd.s32 $0xFFFFE003, lr  }
0x1b: {  	s9 =	sadd.s32 $0xFFFFFEF7, lr;
	s5 =	simm.s32 $0xFFFFFFFF;
	p2 =	slt.u32 s8, $0xFFFFF086  }
0x1c: {  	p1 =	slt.u32 s9, $0xF7A;
	s5 =	simm.s32 @!p2 $0x0  }
0x1d: {  	s5 =	simm.s32 @p1 $0x1;
	p0 =	seq.s32 s7, s2  }
0x1e: {  	s7 =	smul.u32 @!p0 $0xF7A, s2;
	p2 =	seq.s32 @!p0 s5, $0x0  }
0x1f: {  	s9 =	smul.u32 $0xF7A, s1;
	s8 =	simm.s32 @!p0 $0x1BF5;
	p2 =	por !p2, p0  }
0x20: {  	[sflag:s8] =	ssyncset.s32 @!p0 $0xFFFFF086;
	s6 =	sadd.s32 @!p0 s3, s7;
	s7 =	simm.s32 @!p0 $0x108  }
0x21: {  	s3 =	sadd.s32 s3, s9;
	s6 =	sadd.s32 @!p0 $0x88, s6;
	s7 =	simm.s32 @p2 $0x1082  }
0x22: {  	[simem:s7], [sflag:s8] =	dma.local @!p0 [hbm:s6], $0xF7A  }
0x23: {  	s9 =	sor.u32 $0xD0000000, s2;
	s6 =	simm.s32 $0x108;
	_ =	swait.ge @!p0 [sflag:s8], $0x0  }
0x24: {  	s3 =	sadd.s32 $0x88, s3;
	s6 =	simm.s32 @!p1 $0x1082;
	[sflag:s4] =	ssyncset.s32 $0xFFFFF086  }
0x25: {  	[simem:s6], [sflag:s4] =	dma.local [hbm:s3], $0xF7A  }
0x26: {  	[smem:$0x3F99] =	sst s1;
	(tag) =	ssettag s2;
	_ =	strace s9  }
0x27: {  	s1 =	sld [smem:$0x3FA9]  }
0x28: {  	s2 =	sld [smem:$0x3FAA]  }
0x29: {  	s4 =	sld [smem:$0x3FAC]  }
0x2a: {  	p0 =	seq.s32 s5, $0x0;
	s5 =	sld [smem:$0x3FAD]  }
0x2b: {  	s6 =	sld [smem:$0x3FAE]  }
0x2c: {  	s7 =	sld [smem:$0x3FAF]  }
0x2d: {  	s3 =	simm.s32 $0x108;
	s8 =	sld [smem:$0x3FB0]  }
0x2e: {  	s3 =	simm.s32 @!p0 $0x1082;
	s9 =	sld [smem:$0x3FB1]  }
0x2f: {  	lr =	sadd.s32 s0, s3;
	s0 =	sld [smem:$0x3FA8]  }
0x30: {  	s3 =	sld [smem:$0x3FAB]  }
0x31: {  	[smem:$0x3FB4] =	sst s10  }
0x32: {  	s10 =	sld [smem:$0x3FB2];
	_ =	sdelay $0x3  }
0x33: {  	p0 =	seq.s32 s10, $0x1;
	s10 =	sld [smem:$0x3FB4];
	_ =	sdelay $0x3  }
0x34: {  	[smem:$0x3FB4] =	sst s10  }
0x35: {  	s10 =	sld [smem:$0x3FB3];
	_ =	sdelay $0x3  }
0x36: {  	p1 =	seq.s32 s10, $0x1;
	s10 =	sld [smem:$0x3FB4];
	_ =	sdelay $0x3  }
0x37: {  	[smem:$0x3FB4] =	sst s10  }
0x38: {  	s10 =	sld [smem:$0x3FB5]  }
0x39: {  	_ = 	snop;
	(pc) =	sbr.ind lr, $3  }
0x3a: {  	_ = 	snop  }
0x3b: {  	_ = 	snop  }
0x3c: {  	p2 =	seq.s32 s10, $0x1;
	s10 =	sld [smem:$0x3FB4]  }
0x3d: {  	_ =	shalt  }
0x3e: {  	_ =	shalt  }
0x3f: {  	_ =	shalt  }
0x40: {  	_ =	shalt  }
0x41: {  	_ =	shalt  }
0x42: {  	_ =	shalt  }
0x43: {  	_ =	shalt  }
0x44: {  	_ =	shalt  }
0x45: {  	_ =	shalt  }
0x46: {  	_ =	shalt  }
0x47: {  	_ =	shalt  }
0x48: {  	_ =	shalt  }
0x49: {  	_ =	shalt  }
0x4a: {  	_ =	shalt  }
0x4b: {  	_ =	shalt  }
0x4c: {  	_ =	shalt  }
0x4d: {  	_ =	shalt  }
0x4e: {  	_ =	shalt  }
0x4f: {  	_ =	shalt  }
0x50: {  	_ =	shalt  }
0x51: {  	_ =	shalt  }
0x52: {  	_ =	shalt  }
0x53: {  	_ =	shalt  }
0x54: {  	_ =	shalt  }
0x55: {  	_ =	shalt  }
0x56: {  	_ =	shalt  }
0x57: {  	_ =	shalt  }
0x58: {  	_ =	shalt  }
0x59: {  	_ =	shalt  }
0x5a: {  	_ =	shalt  }
0x5b: {  	_ =	shalt  }
0x5c: {  	_ =	shalt  }
0x5d: {  	_ =	shalt  }
0x5e: {  	_ =	shalt  }
0x5f: {  	_ =	shalt  }
0x60: {  	_ =	shalt  }
0x61: {  	_ =	shalt  }
0x62: {  	_ =	shalt  }
0x63: {  	_ =	shalt  }
0x64: {  	_ =	shalt  }
0x65: {  	_ =	shalt  }
0x66: {  	_ =	shalt  }
0x67: {  	_ =	shalt  }
0x68: {  	_ =	shalt  }
0x69: {  	_ =	shalt  }
0x6a: {  	_ =	shalt  }
0x6b: {  	_ =	shalt  }
0x6c: {  	_ =	shalt  }
0x6d: {  	_ =	shalt  }
0x6e: {  	_ =	shalt  }
0x6f: {  	_ =	shalt  }
0x70: {  	_ =	shalt  }
0x71: {  	_ =	shalt  }
0x72: {  	_ =	shalt  }
0x73: {  	_ =	shalt  }
0x74: {  	_ =	shalt  }
0x75: {  	_ =	shalt  }
0x76: {  	_ =	shalt  }
0x77: {  	_ =	shalt  }
0x78: {  	_ =	shalt  }
0x79: {  	_ =	shalt  }
0x7a: {  	_ =	shalt  }
0x7b: {  	_ =	shalt  }
0x7c: {  	_ =	shalt  }
0x7d: {  	_ =	shalt  }
0x7e: {  	_ =	shalt  }
0x7f: {  	_ =	shalt  }
0x80: {  	_ =	shalt  }
0x81: {  	_ =	shalt  }
0x82: {  	_ =	shalt  }
0x83: {  	_ =	shalt  }
0x84: {  	_ =	shalt  }
0x85: {  	_ =	shalt  }
0x86: {  	_ =	shalt  }
0x87: {  	_ =	shalt  }
.Lfunc_end0:
.L_simem_size_0:
called_computation_lowered:
.L_overlay_start_0:
0x88: {  	s2 =	sld [smem:$0x3FD9]  }
0x89: {  	s3 =	sld [smem:$0x3FFE];
	_ =	sdelay $0x1  }
0x8a: {  	s1 =	srdreg.scid  }
0x8b: {  	s0 =	sand.u32 $0x1, s1  }
0x8c: {  	s17 =	sshll.u32 s0, $0xA;
	s2 =	sadd.s32 s3, s2  }
0x8d: {  	s2 =	sadd.s32 s2, s17  }
0x8e: {  	[smem:$0x3FC0] =	sst s2  }
0x8f: {  	_ = 	snop  }
0x90: {  	s2 =	sld [smem:$0x3FD0];
	(tm) =	ssettm $0x1  }
0x91: {  	s18 =	sld [smem:$0x3FFB];
	_ =	sdelay $0x3  }
0x92: {  	_ =	strace s18  }
0x93: {  	s3 =	sld [smem:$0x3FFC];
	_ =	sdelay $0x3  }
0x94: {  	_ =	strace s3  }
0x95: {  	s3 =	sld [smem:$0x3FFD];
	_ =	sdelay $0x3  }
0x96: {  	_ =	strace s3  }
0x97: {  	_ =	strace $0x8FFFFFFF  }
0x98: {  	s19 =	sld [smem:$0x3FDB];
	_ =	sdelay $0x1  }
0x99: {  	s4 =	simm.s32 $_scs_section_size  }
0x9a: {  	s5 =	simm.s32 $_size__tile_overlayer_lowered;
	s6 =	simm.s32 $_tile_overlayer_lowered  }
0x9b: {  	s22 =	simm.s32 $0x1BFF;
	s21 =	sshll.u32 s6, $0x1;
	s3 =	sadd.s32 s4, s19  }
0x9c: {  	s7 =	simm.s32 $0x0;
	s20 =	sshll.u32 s5, $0x1;
	s5 =	sadd.s32 s21, s3  }
0x9d: {  	[timem:s7], [sflag:s22] =	dma.local [hbm:s5], s20  }
0x9e: {  	_ =	swait.ge [sflag:s22], s20  }
0x9f: {  	s4 =	ssub.s32 $0x0, s20;
	[sflag:s22] =	ssyncset.done $0x0  }
0xa0: {  	[sflag:s22] =	ssyncadd.s32 s4;
	_ =	sdelay $0x1  }
0xa1: {  	s23 =	simm.s32 $0x1B8B  }
0xa2: {  	_ =	swait.ge [sflag:s23], $0x1  }
0xa3: {  	[sflag:s23] =	ssyncset.done $0x0  }
0xa4: {  	s25 =	simm.s32 $0x1B8E;
	s24 =	sld [smem:$0x3FFE];
	[sflag:s23] =	ssyncadd.s32 $0xFFFFFFFF  }
0xa5: {  	s26 =	simm.s32 $execute0_lowered;
	[smem:$0x3FD2] =	sst s25  }
0xa6: {  	s5 =	sshll.u32 s26, $0x1;
	_ =	strace $0x80000046;
	[dreg:$0x1] =	wrdreg $0xFFFFFFFF  }
0xa7: {  	s28 =	simm.s32 $_size_execute0_lowered;
	s3 =	sadd.s32 s3, s5;
	[dreg:$0x0] =	wrdreg $0x0  }
0xa8: {  	s5 =	sshll.u32 s28, $0x1;
	[dreg:$0x2] =	wrdreg s3  }
0xa9: {  	[dreg:$0x3] =	wrdreg s5  }
0xaa: {  	[dreg:$0x4] =	wrdreg $0xC0  }
0xab: {  	_ =	task [dreg:s7], $0x5FFFF  }
0xac: {  	[dreg:$0x1] =	wrdreg $0xFFFFFFFF  }
0xad: {  	[dreg:$0x0] =	wrdreg $0x60  }
0xae: {  	[dreg:$0x2] =	wrdreg s24  }
0xaf: {  	[dreg:$0x3] =	wrdreg s2  }
0xb0: {  	[dreg:$0x4] =	wrdreg $0x29900  }
0xb1: {  	[dreg:$0x5] =	wrdreg $0x9  }
0xb2: {  	_ =	task.clear_ibuf [dreg:s7], $0x6FFFF;
	_ =	strace $0x90000046  }
0xb3: {  	s29 =	simm.s32 $0x9;
	_ =	strace $0x80000048  }
0xb4: {  	_ =	swait.ge [sflag:s29], $0x1  }
0xb5: {  	[sflag:s29] =	ssyncadd.s32 $0xFFFFFFFF  }
0xb6: {  	_ =	strace $0x90000048  }
0xb7: {  	_ =	sfence  }
0xb8: {  	s30 =	sld [smem:$0x0];
	_ =	sdelay $0x2  }
0xb9: {  	s31 =	sshll.u32 s1, $0xD;
	s1 =	sshrl.u32 s1, $0x2  }
0xba: {  	s3 =	sand.u32 $0x4000, s31;
	s1 =	sadd.s32 s1, s30  }
0xbb: {  	s0 =	sor.u32 s3, s0;
	s1 =	sshll.u32 s1, $0x11  }
0xbc: {  	s0 =	sor.u32 s1, s0  }
0xbd: {  	s0 =	sadd.s32 $0x8F2B, s0  }
0xbe: {  	[sflag:s0] =	ssyncadd.remote.s32 $0x1  }
0xbf: {  	_ =	sfence.sel $0xFFFF  }
0xc0: {  	[dreg:$0x0] =	wrdreg $0xFFFFFFFF;
	(pc) =	sbr.abs _section_cstart, $3  }
0xc1: {  	[dreg:$0x1] =	wrdreg $0xFFFFFFFF  }
0xc2: {  	_ =	task.clear_ibuf [dreg:s7], $0x2FFFF;
	_ =	strace $0x9FFFFFFF  }
0xc3: {  	(tm) =	ssettm $0x7FFFFFFF  }
tec
execute0_lowered:
.L_overlay_start_1:
0x0: {  	(tag) =	ssettag $0x1  }
0x1: {  	s7 =	rddreg [dreg:$0x0]  }
0x2: {  	s2 =	rddreg [dreg:$0x1]  }
0x3: {  	s3 =	rddreg [dreg:$0x2];
	s4 =	srdreg.scid  }
0x4: {  	s1 =	stileid.u32;
	s0 =	rddreg [dreg:$0x3];
	s16 =	simm.s32 $0x28  }
0x5: {  	s17 =	simm.s32 $0x0;
	s5 =	sand.u32 $0x1, s4;
	s6 =	sshll.u32 s1, $0x1  }
0x6: {  	s4 =	simm.s32 $0x0;
	s8 =	smul.u32 $0x2700, s1;
	s12 =	sadd.s32 $0x1A600, s7  }
0x7: {  	s13 =	sadd.s32 $0x24900, s3;
	p0 =	seq.s32 s1, $0xF;
	s6 =	sor.u32 s5, s6  }
0x8: {  	[smem:$0x7FF] =	sst s4;
	s10 =	ssub.s32 $0x2, s5;
	s30 =	smul.u32 $0x27100, s5  }
0x9: {  	s14 =	sshll.u32 @!p0 s1, $0x6;
	s13 =	sshrl.u32 @p0 s13, $0x3;
	s6 =	smul.u32 $0x4E2, s6  }
0xa: {  	_ =	strace $0x80000047;
	s9 =	sshrl.u32 s8, $0x3;
	s11 =	sshrl.u32 s10, $0x1  }
0xb: {  	s15 =	sadd.s32 s8, s3;
	s14 =	sor.u32 @!p0 $0x1C01, s14;
	s9 =	sadd.s32 s9, s7  }
0xc: {  	s10 =	ssub.s32 s10, s11;
	s8 =	sadd.s32 s8, s30;
	s31 =	sshrl.u32 s30, $0x3  }
0xd: {  	s11 =	simm.s32 $0x1;
	s15 =	sshrl.u32 @!p0 s15, $0x3;
	s6 =	sadd.s32 s6, s7  }
0xe: {  	s7 =	sadd.s32 $0x19F20, s7;
	s8 =	sshrl.u32 s8, $0x3;
	s10 =	smax.u32 s10, $0x1  }
0xf: {  	s5 =	sadd.s32 $0xB800, s6;
	s6 =	sadd.s32 $0x15600, s9;
	s9 =	sadd.s32 s12, s31  }
0x10: {  	s8 =	sadd.s32 s12, s8;
	s12 =	simm.s32 $0x2710;
	s9 =	sadd.s32 $0x4920, s9  }
.LBB2_1:
0x11: {  	[tilespmem:s4], [sflag:$0x1] =	stream.linear.gather [hbm4b:s5+s4], $0x2710, $0x38;
	[tilespmem:$0x50A0] =	vst v63  }
0x12: {  	_ =	swait.ge [sflag:s11], $0x2710  }
0x13: {  	[sflag:s11] =	ssyncset.done $0x0  }
0x14: {  	[sflag:s11] =	ssyncadd.s32 $0xFFFFD8F0  }
0x15: {  	[tilespmem:s12], [sflag:$0x1] =	stream.linear.gather [hbm4b:s2+s4], $0x280, $0x38;
	[tilespmem:$0x50A0] =	vst v63  }
0x16: {  	_ =	swait.ge [sflag:s11], $0x280  }
0x17: {  	[sflag:s11] =	ssyncset.done $0x0  }
0x18: {  	s18 =	simm.s32 @p0 $0x1FC1;
	[sflag:s11] =	ssyncadd.s32 $0xFFFFFD80  }
0x19: {  	[spmem:s13], [sflag:s18] =	dma.local @p0 [hbm:s7], $0x500  }
0x1a: {  	s18 =	simm.s32 @p0 $0x1  }
0x1b: {  	_ =	swait.ge @p0 [sflag:s18], $0x500  }
0x1c: {  	[sflag:s18] =	ssyncset.done @p0 $0x0  }
0x1d: {  	[sflag:s18] =	ssyncadd.s32 @p0 $0xFFFFFB00;
	s18 =	simm.s32 @!p0 $0x1  }
0x1e: {  	[spmem:s15], [sflag:s14] =	dma.local @!p0 [hbm:s6], $0x4E0  }
0x1f: {  	_ =	swait.ge @!p0 [sflag:s18], $0x4E0  }
0x20: {  	[sflag:s18] =	ssyncset.done @!p0 $0x0  }
0x21: {  	[sflag:s18] =	ssyncadd.s32 @!p0 $0xFFFFFB20  }
0x22: {  	s31 =	simm.s32 $0x0;
	[bflag:$0x0] =	sbarrier.arrive $0xFFFF  }
0x23: {  	[spmem:s3] =	stream.indirect.scatter.add.f32 [tilespmem:s12], [sflag:$0x1], $0x10, s31, s16, $0xb8;
	[tilespmem:$0x50A0] =	vst v63  }
0x24: {  	_ =	swait.ge [sflag:s11], $0x280  }
0x25: {  	s18 =	simm.s32 $0xA0;
	[sflag:s11] =	ssyncset.done $0x0  }
.LBB2_2:
0x26: {  	s19 =	sshra.s32 s18, $0x2;
	[sflag:s11] =	ssyncadd.s32 $0xFFFFFD80;
	p1 =	sne.s32 s18, $0x9BA0  }
0x27: {  	[spmem:s3] =	stream.indirect.scatter.add.f32 [tilespmem:s12], [sflag:$0x1], $0x10, s19, s16, $0xb8;
	[tilespmem:$0x50A0] =	vst v63  }
.Ltmp0:
0x28: {  	_ = 	snop;
	(pc) =	sbr.rel @p1 .LBB2_2-.Ltmp0, $4  }
0x29: {  	_ = 	snop  }
0x2a: {  	s18 =	sadd.s32 $0xA0, s18  }
0x2b: {  	_ =	swait.ge [sflag:s11], $0x280  }
0x2c: {  	[sflag:s11] =	ssyncset.done $0x0  }
0x2d: {  	[sflag:s11] =	ssyncadd.s32 $0xFFFFFD80  }
0x2e: {  	s18 =	simm.s32 @p0 $0x1FC1;
	[bflag:$0x0] =	sbarrier.arrive $0xFFFF  }
0x2f: {  	[hbm:s9], [sflag:s18] =	dma.local @p0 [spmem:s13], $0x500  }
0x30: {  	s18 =	simm.s32 @p0 $0x1  }
0x31: {  	s17 =	sadd.s32 $0x1, s17;
	_ =	swait.ge @p0 [sflag:s18], $0x500  }
0x32: {  	p1 =	sne.s32 s17, s10;
	[sflag:s18] =	ssyncset.done @p0 $0x0  }
.Ltmp1:
0x33: {  	[sflag:s18] =	ssyncadd.s32 @p0 $0xFFFFFB00;
	s18 =	simm.s32 @!p0 $0x1;
	(pc) =	sbr.rel @p1 .LBB2_1-.Ltmp1, $4  }
0x34: {  	[hbm:s8], [sflag:s14] =	dma.local @!p0 [spmem:s15], $0x4E0  }
0x35: {  	_ =	swait.ge @!p0 [sflag:s18], $0x4E0  }
0x36: {  	[sflag:s18] =	ssyncset.done @!p0 $0x0  }
0x37: {  	[sflag:s18] =	ssyncadd.s32 @!p0 $0xFFFFFB20  }
0x38: {  	_ =	sfence.sel $0x180000  }
0x39: {  	[bflag:$0x0] =	sbarrier.arrive $0xFFFF  }
0x3a: {  	p0 =	sne.s32 s1, $0x0;
	_ =	strace $0x90000047  }
0x3b: {  	s0 =	sadd.s32 @!p0 $0x100000, s0;
	[bflag:$0x2] =	sbarrier.arrive $0xFFFF  }
0x3c: {  	[sflag:s0] =	ssyncadd.tile.s32 @!p0 $0x1;
	_ =	shalt  }
.Lfunc_end2:
_tile_overlayer_lowered:
.L_overlay_start_2:
0x3d: {  	(tag) =	ssettag $0x2  }
0x3e: {  	s0 =	rddreg [dreg:$0x0];
	s2 =	stileid.u32  }
0x3f: {  	s1 =	rddreg [dreg:$0x1];
	p0 =	sne.s32 s2, $0x0  }
0x40: {  	s3 =	rddreg [dreg:$0x2];
	[bflag:$0x3] =	sbarrier.arrive $0xFFFF;
	s2 =	simm.s32 @!p0 $0x1C01  }
0x41: {  	[timem:s3], [sflag:s2] =	dma.local @!p0 [hbm:s0], s1  }
0x42: {  	s0 =	simm.s32 @!p0 $0x1  }
0x43: {  	_ =	swait.ge @!p0 [sflag:s0], s1  }
0x44: {  	s1 =	ssub.s32 @!p0 $0x0, s1;
	[sflag:s0] =	ssyncset.done @!p0 $0x0  }
0x45: {  	[sflag:s0] =	ssyncadd.s32 @!p0 s1  }
0x46: {  	[bflag:$0x3] =	sbarrier.arrive $0xFFFF  }
0x47: {  	_ =	shalt  }

</sc_bundles>
